<compile_context>
chip_gen: v7x
topology: tpu7x:2x2x1
jax: 0.10.2.dev20260603
libtpu: 0.0.44.dev20260713+nightly
codegen_flags: <defaults>
</compile_context>

<pallas_src>
import functools

import jax
import jax.numpy as jnp
from jax import lax
from jax.experimental import pallas as pl
from jax.experimental.pallas import tpu as pltpu
from jax.experimental.pallas import tpu_sc as plsc

_NBUF = 4
_GROUP = 4


@functools.partial(jax.jit, static_argnums=(2, 3, 4))
def _embed_sc(xflat, wpad, nc, ns, n_fields):
    num, wdim = wpad.shape
    dim = wdim // 2
    nw = nc * ns
    lpw = xflat.shape[1]
    gsz = _GROUP * n_fields
    n_groups = lpw // gsz
    bpw = lpw // n_fields
    bsz = nw * bpw
    mesh = plsc.VectorSubcoreMesh(core_axis_name="c", subcore_axis_name="s")

    @functools.partial(
        pl.kernel,
        out_type=jax.ShapeDtypeStruct((bsz, 32, 128), jnp.float32),
        mesh=mesh,
        scratch_types=[
            pltpu.VMEM((lpw,), jnp.int32),
            pltpu.VMEM((_NBUF, gsz, wdim), jnp.float32),
            pltpu.SemaphoreType.DMA((_NBUF,)),
            pltpu.SemaphoreType.DMA((_NBUF,)),
        ],
        compiler_params=pltpu.CompilerParams(use_tc_tiling_on_sc=False),
    )
    def k(x_hbm, w_hbm, out_hbm, idx_v, rows_v, gsem, wsem):
        wid = lax.axis_index("s") * nc + lax.axis_index("c")
        b0 = wid * bpw
        pltpu.sync_copy(x_hbm.at[wid], idx_v)

        def start_gather(g, b):
            pltpu.make_async_copy(
                w_hbm.at[idx_v.at[pl.ds(g * gsz, gsz)]], rows_v.at[b], gsem.at[b]
            ).start()

        def wait_gather(g, b):
            pltpu.make_async_copy(
                w_hbm.at[idx_v.at[pl.ds(g * gsz, gsz)]], rows_v.at[b], gsem.at[b]
            ).wait()

        def write_copy(g, b, i):
            return pltpu.make_async_copy(
                rows_v.at[b, pl.ds(i * n_fields, n_fields), pl.ds(0, dim)],
                out_hbm.at[b0 + g * _GROUP + i, pl.ds(0, n_fields), pl.ds(0, dim)],
                wsem.at[b],
            )

        for b in range(_NBUF):
            start_gather(b, b)

        n_outer = (n_groups + _NBUF - 1) // _NBUF

        def body(j, carry):
            for b in range(_NBUF):
                g = j * _NBUF + b

                @pl.when(g < n_groups)
                def _():
                    wait_gather(g, b)
                    for i in range(_GROUP):
                        write_copy(g, b, i).start()

                    @pl.when(g + _NBUF < n_groups)
                    def _():
                        for i in range(_GROUP):
                            write_copy(g, b, i).wait()
                        start_gather(g + _NBUF, b)

            return carry

        lax.fori_loop(0, n_outer, body, 0)
        for b in range(_NBUF):
            for i in range(_GROUP):
                write_copy(0, b, i).wait()

    out_big = k(xflat, wpad)
    return out_big[:, :n_fields, :dim]


def kernel(x, weight):
    b, f = x.shape
    info = plsc.get_sparse_core_info()
    nc, ns = info.num_cores, info.num_subcores
    nw = nc * ns
    xflat = x.reshape(nw, (b // nw) * f)
    wpad = jnp.pad(weight, ((0, 0), (0, weight.shape[1])))
    return _embed_sc(xflat, wpad, nc, ns, f)

# --- scband reference (transcript-rebuilt; emitter-appended) ---
"""Pipeline reference for scband-embedding-31044023616454 (READ-ONLY COPY).

The authoritative reference and input builder live on the scoring server;
editing this copy changes nothing except your own understanding.
"""

import jax, jax.numpy as jnp
import numpy as np

NUM = 100000
DIM = 64
B = 4096
FIELDS = 26


def setup_inputs(seed: int = 0) -> dict:
    key = jax.random.key(seed)
    k1, k2 = jax.random.split(key)
    x = jax.random.randint(k1, (B, FIELDS), 0, NUM, dtype=jnp.int32)
    weight = jax.random.normal(k2, (NUM, DIM), dtype=jnp.float32)
    return {"x": x, "weight": weight}


def reference(x, weight):
    # Original torch: matmul(one_hot(x, NUM).float(), weight).
    # one_hot @ weight is mathematically an exact row-gather of weight by x,
    # which maps to the SparseCore-friendly gather primitive.
    return jnp.take(weight, x, axis=0)

if __name__ == "__main__":
    import jax
    _d = setup_inputs()
    print(jax.jit(kernel)(*tuple(_d.values())))

</pallas_src>

<mosaic_0001>
#map = affine_map<(d0, d1) -> (0, 0)>
#map1 = affine_map<(d0, d1) -> (0, 0, 0)>
module attributes {stable_mosaic.version = 14 : i64} {
  func.func @k(%arg0: i32, %arg1: i32, %arg2: memref<32x3328xi32, #tpu.memory_space<hbm>>, %arg3: memref<100000x128xf32, #tpu.memory_space<hbm>>, %arg4: memref<4096x32x128xf32, #tpu.memory_space<hbm>>, %arg5: memref<3328xi32, #tpu.memory_space<vmem>>, %arg6: memref<4x104x128xf32, #tpu.memory_space<vmem>>, %arg7: memref<4x!tpu.dma_semaphore, #tpu.memory_space<semaphore_mem>>, %arg8: memref<4x!tpu.dma_semaphore, #tpu.memory_space<semaphore_mem>>) attributes {dimension_semantics = [#tpu.dimension_semantics<core_parallel>, #tpu.dimension_semantics<subcore_parallel>], iteration_bounds = array<i64: 2, 16>, scalar_prefetch = 0 : i64, scratch_operands = 4 : i64, tpu.core_type = #tpu.core_type<sc_vector_subcore>, window_params = [{transform_indices = #map}, {transform_indices = #map}, {transform_indices = #map1}]} {
    %mul3A = arith.constant 2 : i32
    %mul3A_0 = arith.muli %arg1, %mul3A : i32
    %add3A = arith.addi %mul3A_0, %arg0 : i32
    %mul3A_1 = arith.constant 128 : i32
    %mul3A_2 = arith.muli %add3A, %mul3A_1 : i32
    "tpu.region"() ({
      %run_scoped3A = tpu.sem_alloc : memref<!tpu.dma_semaphore, #tpu.memory_space<semaphore_mem>>
      %dma_start3A_442 = arith.constant 0 : i32
      %dma_start3A_443 = tpu.memref_slice %arg2[%add3A, %dma_start3A_442] : memref<32x3328xi32, #tpu.memory_space<hbm>> -> memref<1x3328xi32, #tpu.memory_space<hbm>>
      %dma_start3A_444 = tpu.memref_squeeze %dma_start3A_443 : memref<1x3328xi32, #tpu.memory_space<hbm>> -> memref<3328xi32, #tpu.memory_space<hbm>>
      %dma_start3A_445 = arith.constant 0 : i32
      %dma_start3A_446 = tpu.memref_slice %arg2[%add3A, %dma_start3A_445] : memref<32x3328xi32, #tpu.memory_space<hbm>> -> memref<1x3328xi32, #tpu.memory_space<hbm>>
      %dma_start3A_447 = tpu.memref_squeeze %dma_start3A_446 : memref<1x3328xi32, #tpu.memory_space<hbm>> -> memref<3328xi32, #tpu.memory_space<hbm>>
      tpu.enqueue_dma source(%dma_start3A_447 : memref<3328xi32, #tpu.memory_space<hbm>>) target(%arg5 : memref<3328xi32, #tpu.memory_space<vmem>>) target_semaphore(%run_scoped3A : memref<!tpu.dma_semaphore, #tpu.memory_space<semaphore_mem>>)
      %dma_wait3A_448 = arith.constant 0 : i32
      %dma_wait3A_449 = tpu.memref_slice %arg2[%add3A, %dma_wait3A_448] : memref<32x3328xi32, #tpu.memory_space<hbm>> -> memref<1x3328xi32, #tpu.memory_space<hbm>>
      %dma_wait3A_450 = tpu.memref_squeeze %dma_wait3A_449 : memref<1x3328xi32, #tpu.memory_space<hbm>> -> memref<3328xi32, #tpu.memory_space<hbm>>
      %dma_wait3A_451 = arith.constant 0 : i32
      %dma_wait3A_452 = tpu.memref_slice %arg2[%add3A, %dma_wait3A_451] : memref<32x3328xi32, #tpu.memory_space<hbm>> -> memref<1x3328xi32, #tpu.memory_space<hbm>>
      %dma_wait3A_453 = tpu.memref_squeeze %dma_wait3A_452 : memref<1x3328xi32, #tpu.memory_space<hbm>> -> memref<3328xi32, #tpu.memory_space<hbm>>
      tpu.wait_dma2 semaphore(%run_scoped3A : memref<!tpu.dma_semaphore, #tpu.memory_space<semaphore_mem>>) src(%dma_wait3A_453 : memref<3328xi32, #tpu.memory_space<hbm>>) dst(%arg5 : memref<3328xi32, #tpu.memory_space<vmem>>)
      tpu.yield
    }) : () -> ()
    %dma_start3A = arith.constant 0 : i32
    %dma_start3A_3 = arith.constant 0 : i32
    %dma_start3A_4 = arith.constant 0 : i32
    %dma_start3A_5 = arith.constant 0 : i32
    %dma_start3A_6 = tpu.memref_slice %arg6[%dma_start3A, %dma_start3A_4, %dma_start3A_5] : memref<4x104x128xf32, #tpu.memory_space<vmem>> -> memref<1x104x128xf32, #tpu.memory_space<vmem>>
    %dma_start3A_7 = tpu.memref_squeeze %dma_start3A_6 : memref<1x104x128xf32, #tpu.memory_space<vmem>> -> memref<104x128xf32, #tpu.memory_space<vmem>>
    %dma_start3A_8 = arith.constant 0 : i32
    %dma_start3A_9 = tpu.memref_slice %arg5[%dma_start3A_8] : memref<3328xi32, #tpu.memory_space<vmem>> -> memref<104xi32, #tpu.memory_space<vmem>>
    %dma_start3A_10 = arith.constant 0 : i32
    %dma_start3A_11 = arith.constant 0 : i32
    %dma_start3A_12 = tpu.memref_slice %arg3[%dma_start3A_10, %dma_start3A_11] : memref<100000x128xf32, #tpu.memory_space<hbm>> -> memref<100000x128xf32, #tpu.memory_space<hbm>>
    %dma_start3A_13 = tpu.memref_slice %arg7[%dma_start3A_3] : memref<4x!tpu.dma_semaphore, #tpu.memory_space<semaphore_mem>> -> memref<1x!tpu.dma_semaphore, #tpu.memory_space<semaphore_mem>>
    %dma_start3A_14 = tpu.memref_squeeze %dma_start3A_13 : memref<1x!tpu.dma_semaphore, #tpu.memory_space<semaphore_mem>> -> memref<!tpu.dma_semaphore, #tpu.memory_space<semaphore_mem>>
    tpu.enqueue_indirect_dma source(%dma_start3A_12 : memref<100000x128xf32, #tpu.memory_space<hbm>>) target(%dma_start3A_7 : memref<104x128xf32, #tpu.memory_space<vmem>>) offsets(%dma_start3A_9 : memref<104xi32, #tpu.memory_space<vmem>>) semaphore(%dma_start3A_14 : memref<!tpu.dma_semaphore, #tpu.memory_space<semaphore_mem>>)
    %dma_start3A_15 = arith.constant 1 : i32
    %dma_start3A_16 = arith.constant 1 : i32
    %dma_start3A_17 = arith.constant 0 : i32
    %dma_start3A_18 = arith.constant 0 : i32
    %dma_start3A_19 = tpu.memref_slice %arg6[%dma_start3A_15, %dma_start3A_17, %dma_start3A_18] : memref<4x104x128xf32, #tpu.memory_space<vmem>> -> memref<1x104x128xf32, #tpu.memory_space<vmem>>
    %dma_start3A_20 = tpu.memref_squeeze %dma_start3A_19 : memref<1x104x128xf32, #tpu.memory_space<vmem>> -> memref<104x128xf32, #tpu.memory_space<vmem>>
    %dma_start3A_21 = arith.constant 104 : i32
    %dma_start3A_22 = tpu.memref_slice %arg5[%dma_start3A_21] : memref<3328xi32, #tpu.memory_space<vmem>> -> memref<104xi32, #tpu.memory_space<vmem>>
    %dma_start3A_23 = arith.constant 0 : i32
    %dma_start3A_24 = arith.constant 0 : i32
    %dma_start3A_25 = tpu.memref_slice %arg3[%dma_start3A_23, %dma_start3A_24] : memref<100000x128xf32, #tpu.memory_space<hbm>> -> memref<100000x128xf32, #tpu.memory_space<hbm>>
    %dma_start3A_26 = tpu.memref_slice %arg7[%dma_start3A_16] : memref<4x!tpu.dma_semaphore, #tpu.memory_space<semaphore_mem>> -> memref<1x!tpu.dma_semaphore, #tpu.memory_space<semaphore_mem>>
    %dma_start3A_27 = tpu.memref_squeeze %dma_start3A_26 : memref<1x!tpu.dma_semaphore, #tpu.memory_space<semaphore_mem>> -> memref<!tpu.dma_semaphore, #tpu.memory_space<semaphore_mem>>
    tpu.enqueue_indirect_dma source(%dma_start3A_25 : memref<100000x128xf32, #tpu.memory_space<hbm>>) target(%dma_start3A_20 : memref<104x128xf32, #tpu.memory_space<vmem>>) offsets(%dma_start3A_22 : memref<104xi32, #tpu.memory_space<vmem>>) semaphore(%dma_start3A_27 : memref<!tpu.dma_semaphore, #tpu.memory_space<semaphore_mem>>)
    %dma_start3A_28 = arith.constant 2 : i32
    %dma_start3A_29 = arith.constant 2 : i32
    %dma_start3A_30 = arith.constant 0 : i32
    %dma_start3A_31 = arith.constant 0 : i32
    %dma_start3A_32 = tpu.memref_slice %arg6[%dma_start3A_28, %dma_start3A_30, %dma_start3A_31] : memref<4x104x128xf32, #tpu.memory_space<vmem>> -> memref<1x104x128xf32, #tpu.memory_space<vmem>>
    %dma_start3A_33 = tpu.memref_squeeze %dma_start3A_32 : memref<1x104x128xf32, #tpu.memory_space<vmem>> -> memref<104x128xf32, #tpu.memory_space<vmem>>
    %dma_start3A_34 = arith.constant 208 : i32
    %dma_start3A_35 = tpu.memref_slice %arg5[%dma_start3A_34] : memref<3328xi32, #tpu.memory_space<vmem>> -> memref<104xi32, #tpu.memory_space<vmem>>
    %dma_start3A_36 = arith.constant 0 : i32
    %dma_start3A_37 = arith.constant 0 : i32
    %dma_start3A_38 = tpu.memref_slice %arg3[%dma_start3A_36, %dma_start3A_37] : memref<100000x128xf32, #tpu.memory_space<hbm>> -> memref<100000x128xf32, #tpu.memory_space<hbm>>
    %dma_start3A_39 = tpu.memref_slice %arg7[%dma_start3A_29] : memref<4x!tpu.dma_semaphore, #tpu.memory_space<semaphore_mem>> -> memref<1x!tpu.dma_semaphore, #tpu.memory_space<semaphore_mem>>
    %dma_start3A_40 = tpu.memref_squeeze %dma_start3A_39 : memref<1x!tpu.dma_semaphore, #tpu.memory_space<semaphore_mem>> -> memref<!tpu.dma_semaphore, #tpu.memory_space<semaphore_mem>>
    tpu.enqueue_indirect_dma source(%dma_start3A_38 : memref<100000x128xf32, #tpu.memory_space<hbm>>) target(%dma_start3A_33 : memref<104x128xf32, #tpu.memory_space<vmem>>) offsets(%dma_start3A_35 : memref<104xi32, #tpu.memory_space<vmem>>) semaphore(%dma_start3A_40 : memref<!tpu.dma_semaphore, #tpu.memory_space<semaphore_mem>>)
    %dma_start3A_41 = arith.constant 3 : i32
    %dma_start3A_42 = arith.constant 3 : i32
    %dma_start3A_43 = arith.constant 0 : i32
    %dma_start3A_44 = arith.constant 0 : i32
    %dma_start3A_45 = tpu.memref_slice %arg6[%dma_start3A_41, %dma_start3A_43, %dma_start3A_44] : memref<4x104x128xf32, #tpu.memory_space<vmem>> -> memref<1x104x128xf32, #tpu.memory_space<vmem>>
    %dma_start3A_46 = tpu.memref_squeeze %dma_start3A_45 : memref<1x104x128xf32, #tpu.memory_space<vmem>> -> memref<104x128xf32, #tpu.memory_space<vmem>>
    %dma_start3A_47 = arith.constant 312 : i32
    %dma_start3A_48 = tpu.memref_slice %arg5[%dma_start3A_47] : memref<3328xi32, #tpu.memory_space<vmem>> -> memref<104xi32, #tpu.memory_space<vmem>>
    %dma_start3A_49 = arith.constant 0 : i32
    %dma_start3A_50 = arith.constant 0 : i32
    %dma_start3A_51 = tpu.memref_slice %arg3[%dma_start3A_49, %dma_start3A_50] : memref<100000x128xf32, #tpu.memory_space<hbm>> -> memref<100000x128xf32, #tpu.memory_space<hbm>>
    %dma_start3A_52 = tpu.memref_slice %arg7[%dma_start3A_42] : memref<4x!tpu.dma_semaphore, #tpu.memory_space<semaphore_mem>> -> memref<1x!tpu.dma_semaphore, #tpu.memory_space<semaphore_mem>>
    %dma_start3A_53 = tpu.memref_squeeze %dma_start3A_52 : memref<1x!tpu.dma_semaphore, #tpu.memory_space<semaphore_mem>> -> memref<!tpu.dma_semaphore, #tpu.memory_space<semaphore_mem>>
    tpu.enqueue_indirect_dma source(%dma_start3A_51 : memref<100000x128xf32, #tpu.memory_space<hbm>>) target(%dma_start3A_46 : memref<104x128xf32, #tpu.memory_space<vmem>>) offsets(%dma_start3A_48 : memref<104xi32, #tpu.memory_space<vmem>>) semaphore(%dma_start3A_53 : memref<!tpu.dma_semaphore, #tpu.memory_space<semaphore_mem>>)
    %scan3A = arith.constant 0 : i32
    %scan3A_54 = arith.constant 0 : i32
    %scan3A_55 = arith.constant 8 : i32
    %scan3A_56 = arith.addi %scan3A_54, %scan3A_55 : i32
    %scan3A_57 = arith.constant 1 : i32
    scf.for %scan3A_442 = %scan3A_54 to %scan3A_56 step %scan3A_57  : i32 {
      %mul3A_443 = arith.constant 4 : i32
      %mul3A_444 = arith.muli %scan3A_442, %mul3A_443 : i32
      %add3A_445 = arith.constant 0 : i32
      %add3A_446 = arith.addi %mul3A_444, %add3A_445 : i32
      %lt3A = arith.constant 32 : i32
      %lt3A_447 = arith.cmpi slt, %add3A_446, %lt3A : i32
      %convert_element_type3A = arith.extui %lt3A_447 : i1 to i32
      %cond3A = arith.constant 0 : i32
      %cond3A_448 = arith.cmpi ne, %convert_element_type3A, %cond3A : i32
      scf.if %cond3A_448 {
        %mul3A_476 = arith.constant 104 : i32
        %mul3A_477 = arith.muli %add3A_446, %mul3A_476 : i32
        %dma_wait3A_478 = arith.constant 0 : i32
        %dma_wait3A_479 = arith.constant 0 : i32
        %dma_wait3A_480 = arith.constant 0 : i32
        %dma_wait3A_481 = arith.constant 0 : i32
        %dma_wait3A_482 = tpu.memref_slice %arg6[%dma_wait3A_478, %dma_wait3A_480, %dma_wait3A_481] : memref<4x104x128xf32, #tpu.memory_space<vmem>> -> memref<1x104x128xf32, #tpu.memory_space<vmem>>
        %dma_wait3A_483 = tpu.memref_squeeze %dma_wait3A_482 : memref<1x104x128xf32, #tpu.memory_space<vmem>> -> memref<104x128xf32, #tpu.memory_space<vmem>>
        %dma_wait3A_484 = tpu.memref_slice %arg5[%mul3A_477] : memref<3328xi32, #tpu.memory_space<vmem>> -> memref<104xi32, #tpu.memory_space<vmem>>
        %dma_wait3A_485 = arith.constant 0 : i32
        %dma_wait3A_486 = arith.constant 0 : i32
        %dma_wait3A_487 = tpu.memref_slice %arg3[%dma_wait3A_485, %dma_wait3A_486] : memref<100000x128xf32, #tpu.memory_space<hbm>> -> memref<100000x128xf32, #tpu.memory_space<hbm>>
        %dma_wait3A_488 = tpu.memref_slice %arg7[%dma_wait3A_479] : memref<4x!tpu.dma_semaphore, #tpu.memory_space<semaphore_mem>> -> memref<1x!tpu.dma_semaphore, #tpu.memory_space<semaphore_mem>>
        %dma_wait3A_489 = tpu.memref_squeeze %dma_wait3A_488 : memref<1x!tpu.dma_semaphore, #tpu.memory_space<semaphore_mem>> -> memref<!tpu.dma_semaphore, #tpu.memory_space<semaphore_mem>>
        tpu.wait_indirect_dma semaphore(%dma_wait3A_489 : memref<!tpu.dma_semaphore, #tpu.memory_space<semaphore_mem>>) src(%dma_wait3A_487 : memref<100000x128xf32, #tpu.memory_space<hbm>>) dst(%dma_wait3A_483 : memref<104x128xf32, #tpu.memory_space<vmem>>)
        %mul3A_490 = arith.constant 4 : i32
        %mul3A_491 = arith.muli %add3A_446, %mul3A_490 : i32
        %add3A_492 = arith.addi %mul3A_2, %mul3A_491 : i32
        %add3A_493 = arith.constant 0 : i32
        %add3A_494 = arith.addi %add3A_492, %add3A_493 : i32
        %dma_start3A_495 = arith.constant 0 : i32
        %dma_start3A_496 = arith.constant 0 : i32
        %dma_start3A_497 = arith.constant 0 : i32
        %dma_start3A_498 = arith.constant 0 : i32
        %dma_start3A_499 = tpu.memref_slice %arg6[%dma_start3A_495, %dma_start3A_497, %dma_start3A_498] : memref<4x104x128xf32, #tpu.memory_space<vmem>> -> memref<1x26x64xf32, #tpu.memory_space<vmem>>
        %dma_start3A_500 = tpu.memref_squeeze %dma_start3A_499 : memref<1x26x64xf32, #tpu.memory_space<vmem>> -> memref<26x64xf32, #tpu.memory_space<vmem>>
        %dma_start3A_501 = arith.constant 0 : i32
        %dma_start3A_502 = arith.constant 0 : i32
        %dma_start3A_503 = tpu.memref_slice %arg4[%add3A_494, %dma_start3A_501, %dma_start3A_502] : memref<4096x32x128xf32, #tpu.memory_space<hbm>> -> memref<1x26x64xf32, #tpu.memory_space<hbm>>
        %dma_start3A_504 = tpu.memref_squeeze %dma_start3A_503 : memref<1x26x64xf32, #tpu.memory_space<hbm>> -> memref<26x64xf32, #tpu.memory_space<hbm>>
        %dma_start3A_505 = tpu.memref_slice %arg8[%dma_start3A_496] : memref<4x!tpu.dma_semaphore, #tpu.memory_space<semaphore_mem>> -> memref<1x!tpu.dma_semaphore, #tpu.memory_space<semaphore_mem>>
        %dma_start3A_506 = tpu.memref_squeeze %dma_start3A_505 : memref<1x!tpu.dma_semaphore, #tpu.memory_space<semaphore_mem>> -> memref<!tpu.dma_semaphore, #tpu.memory_space<semaphore_mem>>
        %dma_start3A_507 = arith.constant 0 : i32
        %dma_start3A_508 = arith.constant 0 : i32
        %dma_start3A_509 = tpu.memref_slice %arg4[%add3A_494, %dma_start3A_507, %dma_start3A_508] : memref<4096x32x128xf32, #tpu.memory_space<hbm>> -> memref<1x26x64xf32, #tpu.memory_space<hbm>>
        %dma_start3A_510 = tpu.memref_squeeze %dma_start3A_509 : memref<1x26x64xf32, #tpu.memory_space<hbm>> -> memref<26x64xf32, #tpu.memory_space<hbm>>
        %dma_start3A_511 = arith.constant 0 : i32
        %dma_start3A_512 = arith.constant 0 : i32
        %dma_start3A_513 = tpu.memref_slice %arg6[%dma_start3A_495, %dma_start3A_511, %dma_start3A_512] : memref<4x104x128xf32, #tpu.memory_space<vmem>> -> memref<1x26x64xf32, #tpu.memory_space<vmem>>
        %dma_start3A_514 = tpu.memref_squeeze %dma_start3A_513 : memref<1x26x64xf32, #tpu.memory_space<vmem>> -> memref<26x64xf32, #tpu.memory_space<vmem>>
        tpu.enqueue_dma source(%dma_start3A_514 : memref<26x64xf32, #tpu.memory_space<vmem>>) target(%dma_start3A_510 : memref<26x64xf32, #tpu.memory_space<hbm>>) target_semaphore(%dma_start3A_506 : memref<!tpu.dma_semaphore, #tpu.memory_space<semaphore_mem>>)
        %mul3A_515 = arith.constant 4 : i32
        %mul3A_516 = arith.muli %add3A_446, %mul3A_515 : i32
        %add3A_517 = arith.addi %mul3A_2, %mul3A_516 : i32
        %add3A_518 = arith.constant 1 : i32
        %add3A_519 = arith.addi %add3A_517, %add3A_518 : i32
        %dma_start3A_520 = arith.constant 0 : i32
        %dma_start3A_521 = arith.constant 0 : i32
        %dma_start3A_522 = arith.constant 26 : i32
        %dma_start3A_523 = arith.constant 0 : i32
        %dma_start3A_524 = tpu.memref_slice %arg6[%dma_start3A_520, %dma_start3A_522, %dma_start3A_523] : memref<4x104x128xf32, #tpu.memory_space<vmem>> -> memref<1x26x64xf32, #tpu.memory_space<vmem>>
        %dma_start3A_525 = tpu.memref_squeeze %dma_start3A_524 : memref<1x26x64xf32, #tpu.memory_space<vmem>> -> memref<26x64xf32, #tpu.memory_space<vmem>>
        %dma_start3A_526 = arith.constant 0 : i32
        %dma_start3A_527 = arith.constant 0 : i32
        %dma_start3A_528 = tpu.memref_slice %arg4[%add3A_519, %dma_start3A_526, %dma_start3A_527] : memref<4096x32x128xf32, #tpu.memory_space<hbm>> -> memref<1x26x64xf32, #tpu.memory_space<hbm>>
        %dma_start3A_529 = tpu.memref_squeeze %dma_start3A_528 : memref<1x26x64xf32, #tpu.memory_space<hbm>> -> memref<26x64xf32, #tpu.memory_space<hbm>>
        %dma_start3A_530 = tpu.memref_slice %arg8[%dma_start3A_521] : memref<4x!tpu.dma_semaphore, #tpu.memory_space<semaphore_mem>> -> memref<1x!tpu.dma_semaphore, #tpu.memory_space<semaphore_mem>>
        %dma_start3A_531 = tpu.memref_squeeze %dma_start3A_530 : memref<1x!tpu.dma_semaphore, #tpu.memory_space<semaphore_mem>> -> memref<!tpu.dma_semaphore, #tpu.memory_space<semaphore_mem>>
        %dma_start3A_532 = arith.constant 0 : i32
        %dma_start3A_533 = arith.constant 0 : i32
        %dma_start3A_534 = tpu.memref_slice %arg4[%add3A_519, %dma_start3A_532, %dma_start3A_533] : memref<4096x32x128xf32, #tpu.memory_space<hbm>> -> memref<1x26x64xf32, #tpu.memory_space<hbm>>
        %dma_start3A_535 = tpu.memref_squeeze %dma_start3A_534 : memref<1x26x64xf32, #tpu.memory_space<hbm>> -> memref<26x64xf32, #tpu.memory_space<hbm>>
        %dma_start3A_536 = arith.constant 26 : i32
        %dma_start3A_537 = arith.constant 0 : i32
        %dma_start3A_538 = tpu.memref_slice %arg6[%dma_start3A_520, %dma_start3A_536, %dma_start3A_537] : memref<4x104x128xf32, #tpu.memory_space<vmem>> -> memref<1x26x64xf32, #tpu.memory_space<vmem>>
        %dma_start3A_539 = tpu.memref_squeeze %dma_start3A_538 : memref<1x26x64xf32, #tpu.memory_space<vmem>> -> memref<26x64xf32, #tpu.memory_space<vmem>>
        tpu.enqueue_dma source(%dma_start3A_539 : memref<26x64xf32, #tpu.memory_space<vmem>>) target(%dma_start3A_535 : memref<26x64xf32, #tpu.memory_space<hbm>>) target_semaphore(%dma_start3A_531 : memref<!tpu.dma_semaphore, #tpu.memory_space<semaphore_mem>>)
        %mul3A_540 = arith.constant 4 : i32
        %mul3A_541 = arith.muli %add3A_446, %mul3A_540 : i32
        %add3A_542 = arith.addi %mul3A_2, %mul3A_541 : i32
        %add3A_543 = arith.constant 2 : i32
        %add3A_544 = arith.addi %add3A_542, %add3A_543 : i32
        %dma_start3A_545 = arith.constant 0 : i32
        %dma_start3A_546 = arith.constant 0 : i32
        %dma_start3A_547 = arith.constant 52 : i32
        %dma_start3A_548 = arith.constant 0 : i32
        %dma_start3A_549 = tpu.memref_slice %arg6[%dma_start3A_545, %dma_start3A_547, %dma_start3A_548] : memref<4x104x128xf32, #tpu.memory_space<vmem>> -> memref<1x26x64xf32, #tpu.memory_space<vmem>>
        %dma_start3A_550 = tpu.memref_squeeze %dma_start3A_549 : memref<1x26x64xf32, #tpu.memory_space<vmem>> -> memref<26x64xf32, #tpu.memory_space<vmem>>
        %dma_start3A_551 = arith.constant 0 : i32
        %dma_start3A_552 = arith.constant 0 : i32
        %dma_start3A_553 = tpu.memref_slice %arg4[%add3A_544, %dma_start3A_551, %dma_start3A_552] : memref<4096x32x128xf32, #tpu.memory_space<hbm>> -> memref<1x26x64xf32, #tpu.memory_space<hbm>>
        %dma_start3A_554 = tpu.memref_squeeze %dma_start3A_553 : memref<1x26x64xf32, #tpu.memory_space<hbm>> -> memref<26x64xf32, #tpu.memory_space<hbm>>
        %dma_start3A_555 = tpu.memref_slice %arg8[%dma_start3A_546] : memref<4x!tpu.dma_semaphore, #tpu.memory_space<semaphore_mem>> -> memref<1x!tpu.dma_semaphore, #tpu.memory_space<semaphore_mem>>
        %dma_start3A_556 = tpu.memref_squeeze %dma_start3A_555 : memref<1x!tpu.dma_semaphore, #tpu.memory_space<semaphore_mem>> -> memref<!tpu.dma_semaphore, #tpu.memory_space<semaphore_mem>>
        %dma_start3A_557 = arith.constant 0 : i32
        %dma_start3A_558 = arith.constant 0 : i32
        %dma_start3A_559 = tpu.memref_slice %arg4[%add3A_544, %dma_start3A_557, %dma_start3A_558] : memref<4096x32x128xf32, #tpu.memory_space<hbm>> -> memref<1x26x64xf32, #tpu.memory_space<hbm>>
        %dma_start3A_560 = tpu.memref_squeeze %dma_start3A_559 : memref<1x26x64xf32, #tpu.memory_space<hbm>> -> memref<26x64xf32, #tpu.memory_space<hbm>>
        %dma_start3A_561 = arith.constant 52 : i32
        %dma_start3A_562 = arith.constant 0 : i32
        %dma_start3A_563 = tpu.memref_slice %arg6[%dma_start3A_545, %dma_start3A_561, %dma_start3A_562] : memref<4x104x128xf32, #tpu.memory_space<vmem>> -> memref<1x26x64xf32, #tpu.memory_space<vmem>>
        %dma_start3A_564 = tpu.memref_squeeze %dma_start3A_563 : memref<1x26x64xf32, #tpu.memory_space<vmem>> -> memref<26x64xf32, #tpu.memory_space<vmem>>
        tpu.enqueue_dma source(%dma_start3A_564 : memref<26x64xf32, #tpu.memory_space<vmem>>) target(%dma_start3A_560 : memref<26x64xf32, #tpu.memory_space<hbm>>) target_semaphore(%dma_start3A_556 : memref<!tpu.dma_semaphore, #tpu.memory_space<semaphore_mem>>)
        %mul3A_565 = arith.constant 4 : i32
        %mul3A_566 = arith.muli %add3A_446, %mul3A_565 : i32
        %add3A_567 = arith.addi %mul3A_2, %mul3A_566 : i32
        %add3A_568 = arith.constant 3 : i32
        %add3A_569 = arith.addi %add3A_567, %add3A_568 : i32
        %dma_start3A_570 = arith.constant 0 : i32
        %dma_start3A_571 = arith.constant 0 : i32
        %dma_start3A_572 = arith.constant 78 : i32
        %dma_start3A_573 = arith.constant 0 : i32
        %dma_start3A_574 = tpu.memref_slice %arg6[%dma_start3A_570, %dma_start3A_572, %dma_start3A_573] : memref<4x104x128xf32, #tpu.memory_space<vmem>> -> memref<1x26x64xf32, #tpu.memory_space<vmem>>
        %dma_start3A_575 = tpu.memref_squeeze %dma_start3A_574 : memref<1x26x64xf32, #tpu.memory_space<vmem>> -> memref<26x64xf32, #tpu.memory_space<vmem>>
        %dma_start3A_576 = arith.constant 0 : i32
        %dma_start3A_577 = arith.constant 0 : i32
        %dma_start3A_578 = tpu.memref_slice %arg4[%add3A_569, %dma_start3A_576, %dma_start3A_577] : memref<4096x32x128xf32, #tpu.memory_space<hbm>> -> memref<1x26x64xf32, #tpu.memory_space<hbm>>
        %dma_start3A_579 = tpu.memref_squeeze %dma_start3A_578 : memref<1x26x64xf32, #tpu.memory_space<hbm>> -> memref<26x64xf32, #tpu.memory_space<hbm>>
        %dma_start3A_580 = tpu.memref_slice %arg8[%dma_start3A_571] : memref<4x!tpu.dma_semaphore, #tpu.memory_space<semaphore_mem>> -> memref<1x!tpu.dma_semaphore, #tpu.memory_space<semaphore_mem>>
        %dma_start3A_581 = tpu.memref_squeeze %dma_start3A_580 : memref<1x!tpu.dma_semaphore, #tpu.memory_space<semaphore_mem>> -> memref<!tpu.dma_semaphore, #tpu.memory_space<semaphore_mem>>
        %dma_start3A_582 = arith.constant 0 : i32
        %dma_start3A_583 = arith.constant 0 : i32
        %dma_start3A_584 = tpu.memref_slice %arg4[%add3A_569, %dma_start3A_582, %dma_start3A_583] : memref<4096x32x128xf32, #tpu.memory_space<hbm>> -> memref<1x26x64xf32, #tpu.memory_space<hbm>>
        %dma_start3A_585 = tpu.memref_squeeze %dma_start3A_584 : memref<1x26x64xf32, #tpu.memory_space<hbm>> -> memref<26x64xf32, #tpu.memory_space<hbm>>
        %dma_start3A_586 = arith.constant 78 : i32
        %dma_start3A_587 = arith.constant 0 : i32
        %dma_start3A_588 = tpu.memref_slice %arg6[%dma_start3A_570, %dma_start3A_586, %dma_start3A_587] : memref<4x104x128xf32, #tpu.memory_space<vmem>> -> memref<1x26x64xf32, #tpu.memory_space<vmem>>
        %dma_start3A_589 = tpu.memref_squeeze %dma_start3A_588 : memref<1x26x64xf32, #tpu.memory_space<vmem>> -> memref<26x64xf32, #tpu.memory_space<vmem>>
        tpu.enqueue_dma source(%dma_start3A_589 : memref<26x64xf32, #tpu.memory_space<vmem>>) target(%dma_start3A_585 : memref<26x64xf32, #tpu.memory_space<hbm>>) target_semaphore(%dma_start3A_581 : memref<!tpu.dma_semaphore, #tpu.memory_space<semaphore_mem>>)
        %add3A_590 = arith.constant 4 : i32
        %add3A_591 = arith.addi %add3A_446, %add3A_590 : i32
        %lt3A_592 = arith.constant 32 : i32
        %lt3A_593 = arith.cmpi slt, %add3A_591, %lt3A_592 : i32
        %convert_element_type3A_594 = arith.extui %lt3A_593 : i1 to i32
        %cond3A_595 = arith.constant 0 : i32
        %cond3A_596 = arith.cmpi ne, %convert_element_type3A_594, %cond3A_595 : i32
        scf.if %cond3A_596 {
          %mul3A_597 = arith.constant 4 : i32
          %mul3A_598 = arith.muli %add3A_446, %mul3A_597 : i32
          %add3A_599 = arith.addi %mul3A_2, %mul3A_598 : i32
          %add3A_600 = arith.constant 0 : i32
          %add3A_601 = arith.addi %add3A_599, %add3A_600 : i32
          %dma_wait3A_602 = arith.constant 0 : i32
          %dma_wait3A_603 = arith.constant 0 : i32
          %dma_wait3A_604 = arith.constant 0 : i32
          %dma_wait3A_605 = arith.constant 0 : i32
          %dma_wait3A_606 = tpu.memref_slice %arg6[%dma_wait3A_602, %dma_wait3A_604, %dma_wait3A_605] : memref<4x104x128xf32, #tpu.memory_space<vmem>> -> memref<1x26x64xf32, #tpu.memory_space<vmem>>
          %dma_wait3A_607 = tpu.memref_squeeze %dma_wait3A_606 : memref<1x26x64xf32, #tpu.memory_space<vmem>> -> memref<26x64xf32, #tpu.memory_space<vmem>>
          %dma_wait3A_608 = arith.constant 0 : i32
          %dma_wait3A_609 = arith.constant 0 : i32
          %dma_wait3A_610 = tpu.memref_slice %arg4[%add3A_601, %dma_wait3A_608, %dma_wait3A_609] : memref<4096x32x128xf32, #tpu.memory_space<hbm>> -> memref<1x26x64xf32, #tpu.memory_space<hbm>>
          %dma_wait3A_611 = tpu.memref_squeeze %dma_wait3A_610 : memref<1x26x64xf32, #tpu.memory_space<hbm>> -> memref<26x64xf32, #tpu.memory_space<hbm>>
          %dma_wait3A_612 = tpu.memref_slice %arg8[%dma_wait3A_603] : memref<4x!tpu.dma_semaphore, #tpu.memory_space<semaphore_mem>> -> memref<1x!tpu.dma_semaphore, #tpu.memory_space<semaphore_mem>>
          %dma_wait3A_613 = tpu.memref_squeeze %dma_wait3A_612 : memref<1x!tpu.dma_semaphore, #tpu.memory_space<semaphore_mem>> -> memref<!tpu.dma_semaphore, #tpu.memory_space<semaphore_mem>>
          %dma_wait3A_614 = arith.constant 0 : i32
          %dma_wait3A_615 = arith.constant 0 : i32
          %dma_wait3A_616 = tpu.memref_slice %arg4[%add3A_601, %dma_wait3A_614, %dma_wait3A_615] : memref<4096x32x128xf32, #tpu.memory_space<hbm>> -> memref<1x26x64xf32, #tpu.memory_space<hbm>>
          %dma_wait3A_617 = tpu.memref_squeeze %dma_wait3A_616 : memref<1x26x64xf32, #tpu.memory_space<hbm>> -> memref<26x64xf32, #tpu.memory_space<hbm>>
          %dma_wait3A_618 = arith.constant 0 : i32
          %dma_wait3A_619 = arith.constant 0 : i32
          %dma_wait3A_620 = tpu.memref_slice %arg6[%dma_wait3A_602, %dma_wait3A_618, %dma_wait3A_619] : memref<4x104x128xf32, #tpu.memory_space<vmem>> -> memref<1x26x64xf32, #tpu.memory_space<vmem>>
          %dma_wait3A_621 = tpu.memref_squeeze %dma_wait3A_620 : memref<1x26x64xf32, #tpu.memory_space<vmem>> -> memref<26x64xf32, #tpu.memory_space<vmem>>
          tpu.wait_dma2 semaphore(%dma_wait3A_613 : memref<!tpu.dma_semaphore, #tpu.memory_space<semaphore_mem>>) src(%dma_wait3A_621 : memref<26x64xf32, #tpu.memory_space<vmem>>) dst(%dma_wait3A_617 : memref<26x64xf32, #tpu.memory_space<hbm>>)
          %mul3A_622 = arith.constant 4 : i32
          %mul3A_623 = arith.muli %add3A_446, %mul3A_622 : i32
          %add3A_624 = arith.addi %mul3A_2, %mul3A_623 : i32
          %add3A_625 = arith.constant 1 : i32
          %add3A_626 = arith.addi %add3A_624, %add3A_625 : i32
          %dma_wait3A_627 = arith.constant 0 : i32
          %dma_wait3A_628 = arith.constant 0 : i32
          %dma_wait3A_629 = arith.constant 26 : i32
          %dma_wait3A_630 = arith.constant 0 : i32
          %dma_wait3A_631 = tpu.memref_slice %arg6[%dma_wait3A_627, %dma_wait3A_629, %dma_wait3A_630] : memref<4x104x128xf32, #tpu.memory_space<vmem>> -> memref<1x26x64xf32, #tpu.memory_space<vmem>>
          %dma_wait3A_632 = tpu.memref_squeeze %dma_wait3A_631 : memref<1x26x64xf32, #tpu.memory_space<vmem>> -> memref<26x64xf32, #tpu.memory_space<vmem>>
          %dma_wait3A_633 = arith.constant 0 : i32
          %dma_wait3A_634 = arith.constant 0 : i32
          %dma_wait3A_635 = tpu.memref_slice %arg4[%add3A_626, %dma_wait3A_633, %dma_wait3A_634] : memref<4096x32x128xf32, #tpu.memory_space<hbm>> -> memref<1x26x64xf32, #tpu.memory_space<hbm>>
          %dma_wait3A_636 = tpu.memref_squeeze %dma_wait3A_635 : memref<1x26x64xf32, #tpu.memory_space<hbm>> -> memref<26x64xf32, #tpu.memory_space<hbm>>
          %dma_wait3A_637 = tpu.memref_slice %arg8[%dma_wait3A_628] : memref<4x!tpu.dma_semaphore, #tpu.memory_space<semaphore_mem>> -> memref<1x!tpu.dma_semaphore, #tpu.memory_space<semaphore_mem>>
          %dma_wait3A_638 = tpu.memref_squeeze %dma_wait3A_637 : memref<1x!tpu.dma_semaphore, #tpu.memory_space<semaphore_mem>> -> memref<!tpu.dma_semaphore, #tpu.memory_space<semaphore_mem>>
          %dma_wait3A_639 = arith.constant 0 : i32
          %dma_wait3A_640 = arith.constant 0 : i32
          %dma_wait3A_641 = tpu.memref_slice %arg4[%add3A_626, %dma_wait3A_639, %dma_wait3A_640] : memref<4096x32x128xf32, #tpu.memory_space<hbm>> -> memref<1x26x64xf32, #tpu.memory_space<hbm>>
          %dma_wait3A_642 = tpu.memref_squeeze %dma_wait3A_641 : memref<1x26x64xf32, #tpu.memory_space<hbm>> -> memref<26x64xf32, #tpu.memory_space<hbm>>
          %dma_wait3A_643 = arith.constant 26 : i32
          %dma_wait3A_644 = arith.constant 0 : i32
          %dma_wait3A_645 = tpu.memref_slice %arg6[%dma_wait3A_627, %dma_wait3A_643, %dma_wait3A_644] : memref<4x104x128xf32, #tpu.memory_space<vmem>> -> memref<1x26x64xf32, #tpu.memory_space<vmem>>
          %dma_wait3A_646 = tpu.memref_squeeze %dma_wait3A_645 : memref<1x26x64xf32, #tpu.memory_space<vmem>> -> memref<26x64xf32, #tpu.memory_space<vmem>>
          tpu.wait_dma2 semaphore(%dma_wait3A_638 : memref<!tpu.dma_semaphore, #tpu.memory_space<semaphore_mem>>) src(%dma_wait3A_646 : memref<26x64xf32, #tpu.memory_space<vmem>>) dst(%dma_wait3A_642 : memref<26x64xf32, #tpu.memory_space<hbm>>)
          %mul3A_647 = arith.constant 4 : i32
          %mul3A_648 = arith.muli %add3A_446, %mul3A_647 : i32
          %add3A_649 = arith.addi %mul3A_2, %mul3A_648 : i32
          %add3A_650 = arith.constant 2 : i32
          %add3A_651 = arith.addi %add3A_649, %add3A_650 : i32
          %dma_wait3A_652 = arith.constant 0 : i32
          %dma_wait3A_653 = arith.constant 0 : i32
          %dma_wait3A_654 = arith.constant 52 : i32
          %dma_wait3A_655 = arith.constant 0 : i32
          %dma_wait3A_656 = tpu.memref_slice %arg6[%dma_wait3A_652, %dma_wait3A_654, %dma_wait3A_655] : memref<4x104x128xf32, #tpu.memory_space<vmem>> -> memref<1x26x64xf32, #tpu.memory_space<vmem>>
          %dma_wait3A_657 = tpu.memref_squeeze %dma_wait3A_656 : memref<1x26x64xf32, #tpu.memory_space<vmem>> -> memref<26x64xf32, #tpu.memory_space<vmem>>
          %dma_wait3A_658 = arith.constant 0 : i32
          %dma_wait3A_659 = arith.constant 0 : i32
          %dma_wait3A_660 = tpu.memref_slice %arg4[%add3A_651, %dma_wait3A_658, %dma_wait3A_659] : memref<4096x32x128xf32, #tpu.memory_space<hbm>> -> memref<1x26x64xf32, #tpu.memory_space<hbm>>
          %dma_wait3A_661 = tpu.memref_squeeze %dma_wait3A_660 : memref<1x26x64xf32, #tpu.memory_space<hbm>> -> memref<26x64xf32, #tpu.memory_space<hbm>>
          %dma_wait3A_662 = tpu.memref_slice %arg8[%dma_wait3A_653] : memref<4x!tpu.dma_semaphore, #tpu.memory_space<semaphore_mem>> -> memref<1x!tpu.dma_semaphore, #tpu.memory_space<semaphore_mem>>
          %dma_wait3A_663 = tpu.memref_squeeze %dma_wait3A_662 : memref<1x!tpu.dma_semaphore, #tpu.memory_space<semaphore_mem>> -> memref<!tpu.dma_semaphore, #tpu.memory_space<semaphore_mem>>
          %dma_wait3A_664 = arith.constant 0 : i32
          %dma_wait3A_665 = arith.constant 0 : i32
          %dma_wait3A_666 = tpu.memref_slice %arg4[%add3A_651, %dma_wait3A_664, %dma_wait3A_665] : memref<4096x32x128xf32, #tpu.memory_space<hbm>> -> memref<1x26x64xf32, #tpu.memory_space<hbm>>
          %dma_wait3A_667 = tpu.memref_squeeze %dma_wait3A_666 : memref<1x26x64xf32, #tpu.memory_space<hbm>> -> memref<26x64xf32, #tpu.memory_space<hbm>>
          %dma_wait3A_668 = arith.constant 52 : i32
          %dma_wait3A_669 = arith.constant 0 : i32
          %dma_wait3A_670 = tpu.memref_slice %arg6[%dma_wait3A_652, %dma_wait3A_668, %dma_wait3A_669] : memref<4x104x128xf32, #tpu.memory_space<vmem>> -> memref<1x26x64xf32, #tpu.memory_space<vmem>>
          %dma_wait3A_671 = tpu.memref_squeeze %dma_wait3A_670 : memref<1x26x64xf32, #tpu.memory_space<vmem>> -> memref<26x64xf32, #tpu.memory_space<vmem>>
          tpu.wait_dma2 semaphore(%dma_wait3A_663 : memref<!tpu.dma_semaphore, #tpu.memory_space<semaphore_mem>>) src(%dma_wait3A_671 : memref<26x64xf32, #tpu.memory_space<vmem>>) dst(%dma_wait3A_667 : memref<26x64xf32, #tpu.memory_space<hbm>>)
          %mul3A_672 = arith.constant 4 : i32
          %mul3A_673 = arith.muli %add3A_446, %mul3A_672 : i32
          %add3A_674 = arith.addi %mul3A_2, %mul3A_673 : i32
          %add3A_675 = arith.constant 3 : i32
          %add3A_676 = arith.addi %add3A_674, %add3A_675 : i32
          %dma_wait3A_677 = arith.constant 0 : i32
          %dma_wait3A_678 = arith.constant 0 : i32
          %dma_wait3A_679 = arith.constant 78 : i32
          %dma_wait3A_680 = arith.constant 0 : i32
          %dma_wait3A_681 = tpu.memref_slice %arg6[%dma_wait3A_677, %dma_wait3A_679, %dma_wait3A_680] : memref<4x104x128xf32, #tpu.memory_space<vmem>> -> memref<1x26x64xf32, #tpu.memory_space<vmem>>
          %dma_wait3A_682 = tpu.memref_squeeze %dma_wait3A_681 : memref<1x26x64xf32, #tpu.memory_space<vmem>> -> memref<26x64xf32, #tpu.memory_space<vmem>>
          %dma_wait3A_683 = arith.constant 0 : i32
          %dma_wait3A_684 = arith.constant 0 : i32
          %dma_wait3A_685 = tpu.memref_slice %arg4[%add3A_676, %dma_wait3A_683, %dma_wait3A_684] : memref<4096x32x128xf32, #tpu.memory_space<hbm>> -> memref<1x26x64xf32, #tpu.memory_space<hbm>>
          %dma_wait3A_686 = tpu.memref_squeeze %dma_wait3A_685 : memref<1x26x64xf32, #tpu.memory_space<hbm>> -> memref<26x64xf32, #tpu.memory_space<hbm>>
          %dma_wait3A_687 = tpu.memref_slice %arg8[%dma_wait3A_678] : memref<4x!tpu.dma_semaphore, #tpu.memory_space<semaphore_mem>> -> memref<1x!tpu.dma_semaphore, #tpu.memory_space<semaphore_mem>>
          %dma_wait3A_688 = tpu.memref_squeeze %dma_wait3A_687 : memref<1x!tpu.dma_semaphore, #tpu.memory_space<semaphore_mem>> -> memref<!tpu.dma_semaphore, #tpu.memory_space<semaphore_mem>>
          %dma_wait3A_689 = arith.constant 0 : i32
          %dma_wait3A_690 = arith.constant 0 : i32
          %dma_wait3A_691 = tpu.memref_slice %arg4[%add3A_676, %dma_wait3A_689, %dma_wait3A_690] : memref<4096x32x128xf32, #tpu.memory_space<hbm>> -> memref<1x26x64xf32, #tpu.memory_space<hbm>>
          %dma_wait3A_692 = tpu.memref_squeeze %dma_wait3A_691 : memref<1x26x64xf32, #tpu.memory_space<hbm>> -> memref<26x64xf32, #tpu.memory_space<hbm>>
          %dma_wait3A_693 = arith.constant 78 : i32
          %dma_wait3A_694 = arith.constant 0 : i32
          %dma_wait3A_695 = tpu.memref_slice %arg6[%dma_wait3A_677, %dma_wait3A_693, %dma_wait3A_694] : memref<4x104x128xf32, #tpu.memory_space<vmem>> -> memref<1x26x64xf32, #tpu.memory_space<vmem>>
          %dma_wait3A_696 = tpu.memref_squeeze %dma_wait3A_695 : memref<1x26x64xf32, #tpu.memory_space<vmem>> -> memref<26x64xf32, #tpu.memory_space<vmem>>
          tpu.wait_dma2 semaphore(%dma_wait3A_688 : memref<!tpu.dma_semaphore, #tpu.memory_space<semaphore_mem>>) src(%dma_wait3A_696 : memref<26x64xf32, #tpu.memory_space<vmem>>) dst(%dma_wait3A_692 : memref<26x64xf32, #tpu.memory_space<hbm>>)
          %add3A_697 = arith.constant 4 : i32
          %add3A_698 = arith.addi %add3A_446, %add3A_697 : i32
          %mul3A_699 = arith.constant 104 : i32
          %mul3A_700 = arith.muli %add3A_698, %mul3A_699 : i32
          %dma_start3A_701 = arith.constant 0 : i32
          %dma_start3A_702 = arith.constant 0 : i32
          %dma_start3A_703 = arith.constant 0 : i32
          %dma_start3A_704 = arith.constant 0 : i32
          %dma_start3A_705 = tpu.memref_slice %arg6[%dma_start3A_701, %dma_start3A_703, %dma_start3A_704] : memref<4x104x128xf32, #tpu.memory_space<vmem>> -> memref<1x104x128xf32, #tpu.memory_space<vmem>>
          %dma_start3A_706 = tpu.memref_squeeze %dma_start3A_705 : memref<1x104x128xf32, #tpu.memory_space<vmem>> -> memref<104x128xf32, #tpu.memory_space<vmem>>
          %dma_start3A_707 = tpu.memref_slice %arg5[%mul3A_700] : memref<3328xi32, #tpu.memory_space<vmem>> -> memref<104xi32, #tpu.memory_space<vmem>>
          %dma_start3A_708 = arith.constant 0 : i32
          %dma_start3A_709 = arith.constant 0 : i32
          %dma_start3A_710 = tpu.memref_slice %arg3[%dma_start3A_708, %dma_start3A_709] : memref<100000x128xf32, #tpu.memory_space<hbm>> -> memref<100000x128xf32, #tpu.memory_space<hbm>>
          %dma_start3A_711 = tpu.memref_slice %arg7[%dma_start3A_702] : memref<4x!tpu.dma_semaphore, #tpu.memory_space<semaphore_mem>> -> memref<1x!tpu.dma_semaphore, #tpu.memory_space<semaphore_mem>>
          %dma_start3A_712 = tpu.memref_squeeze %dma_start3A_711 : memref<1x!tpu.dma_semaphore, #tpu.memory_space<semaphore_mem>> -> memref<!tpu.dma_semaphore, #tpu.memory_space<semaphore_mem>>
          tpu.enqueue_indirect_dma source(%dma_start3A_710 : memref<100000x128xf32, #tpu.memory_space<hbm>>) target(%dma_start3A_706 : memref<104x128xf32, #tpu.memory_space<vmem>>) offsets(%dma_start3A_707 : memref<104xi32, #tpu.memory_space<vmem>>) semaphore(%dma_start3A_712 : memref<!tpu.dma_semaphore, #tpu.memory_space<semaphore_mem>>)
        } else {
        }
      } else {
      }
      %mul3A_449 = arith.constant 4 : i32
      %mul3A_450 = arith.muli %scan3A_442, %mul3A_449 : i32
      %add3A_451 = arith.constant 1 : i32
      %add3A_452 = arith.addi %mul3A_450, %add3A_451 : i32
      %lt3A_453 = arith.constant 32 : i32
      %lt3A_454 = arith.cmpi slt, %add3A_452, %lt3A_453 : i32
      %convert_element_type3A_455 = arith.extui %lt3A_454 : i1 to i32
      %cond3A_456 = arith.constant 0 : i32
      %cond3A_457 = arith.cmpi ne, %convert_element_type3A_455, %cond3A_456 : i32
      scf.if %cond3A_457 {
        %mul3A_476 = arith.constant 104 : i32
        %mul3A_477 = arith.muli %add3A_452, %mul3A_476 : i32
        %dma_wait3A_478 = arith.constant 1 : i32
        %dma_wait3A_479 = arith.constant 1 : i32
        %dma_wait3A_480 = arith.constant 0 : i32
        %dma_wait3A_481 = arith.constant 0 : i32
        %dma_wait3A_482 = tpu.memref_slice %arg6[%dma_wait3A_478, %dma_wait3A_480, %dma_wait3A_481] : memref<4x104x128xf32, #tpu.memory_space<vmem>> -> memref<1x104x128xf32, #tpu.memory_space<vmem>>
        %dma_wait3A_483 = tpu.memref_squeeze %dma_wait3A_482 : memref<1x104x128xf32, #tpu.memory_space<vmem>> -> memref<104x128xf32, #tpu.memory_space<vmem>>
        %dma_wait3A_484 = tpu.memref_slice %arg5[%mul3A_477] : memref<3328xi32, #tpu.memory_space<vmem>> -> memref<104xi32, #tpu.memory_space<vmem>>
        %dma_wait3A_485 = arith.constant 0 : i32
        %dma_wait3A_486 = arith.constant 0 : i32
        %dma_wait3A_487 = tpu.memref_slice %arg3[%dma_wait3A_485, %dma_wait3A_486] : memref<100000x128xf32, #tpu.memory_space<hbm>> -> memref<100000x128xf32, #tpu.memory_space<hbm>>
        %dma_wait3A_488 = tpu.memref_slice %arg7[%dma_wait3A_479] : memref<4x!tpu.dma_semaphore, #tpu.memory_space<semaphore_mem>> -> memref<1x!tpu.dma_semaphore, #tpu.memory_space<semaphore_mem>>
        %dma_wait3A_489 = tpu.memref_squeeze %dma_wait3A_488 : memref<1x!tpu.dma_semaphore, #tpu.memory_space<semaphore_mem>> -> memref<!tpu.dma_semaphore, #tpu.memory_space<semaphore_mem>>
        tpu.wait_indirect_dma semaphore(%dma_wait3A_489 : memref<!tpu.dma_semaphore, #tpu.memory_space<semaphore_mem>>) src(%dma_wait3A_487 : memref<100000x128xf32, #tpu.memory_space<hbm>>) dst(%dma_wait3A_483 : memref<104x128xf32, #tpu.memory_space<vmem>>)
        %mul3A_490 = arith.constant 4 : i32
        %mul3A_491 = arith.muli %add3A_452, %mul3A_490 : i32
        %add3A_492 = arith.addi %mul3A_2, %mul3A_491 : i32
        %add3A_493 = arith.constant 0 : i32
        %add3A_494 = arith.addi %add3A_492, %add3A_493 : i32
        %dma_start3A_495 = arith.constant 1 : i32
        %dma_start3A_496 = arith.constant 1 : i32
        %dma_start3A_497 = arith.constant 0 : i32
        %dma_start3A_498 = arith.constant 0 : i32
        %dma_start3A_499 = tpu.memref_slice %arg6[%dma_start3A_495, %dma_start3A_497, %dma_start3A_498] : memref<4x104x128xf32, #tpu.memory_space<vmem>> -> memref<1x26x64xf32, #tpu.memory_space<vmem>>
        %dma_start3A_500 = tpu.memref_squeeze %dma_start3A_499 : memref<1x26x64xf32, #tpu.memory_space<vmem>> -> memref<26x64xf32, #tpu.memory_space<vmem>>
        %dma_start3A_501 = arith.constant 0 : i32
        %dma_start3A_502 = arith.constant 0 : i32
        %dma_start3A_503 = tpu.memref_slice %arg4[%add3A_494, %dma_start3A_501, %dma_start3A_502] : memref<4096x32x128xf32, #tpu.memory_space<hbm>> -> memref<1x26x64xf32, #tpu.memory_space<hbm>>
        %dma_start3A_504 = tpu.memref_squeeze %dma_start3A_503 : memref<1x26x64xf32, #tpu.memory_space<hbm>> -> memref<26x64xf32, #tpu.memory_space<hbm>>
        %dma_start3A_505 = tpu.memref_slice %arg8[%dma_start3A_496] : memref<4x!tpu.dma_semaphore, #tpu.memory_space<semaphore_mem>> -> memref<1x!tpu.dma_semaphore, #tpu.memory_space<semaphore_mem>>
        %dma_start3A_506 = tpu.memref_squeeze %dma_start3A_505 : memref<1x!tpu.dma_semaphore, #tpu.memory_space<semaphore_mem>> -> memref<!tpu.dma_semaphore, #tpu.memory_space<semaphore_mem>>
        %dma_start3A_507 = arith.constant 0 : i32
        %dma_start3A_508 = arith.constant 0 : i32
        %dma_start3A_509 = tpu.memref_slice %arg4[%add3A_494, %dma_start3A_507, %dma_start3A_508] : memref<4096x32x128xf32, #tpu.memory_space<hbm>> -> memref<1x26x64xf32, #tpu.memory_space<hbm>>
        %dma_start3A_510 = tpu.memref_squeeze %dma_start3A_509 : memref<1x26x64xf32, #tpu.memory_space<hbm>> -> memref<26x64xf32, #tpu.memory_space<hbm>>
        %dma_start3A_511 = arith.constant 0 : i32
        %dma_start3A_512 = arith.constant 0 : i32
        %dma_start3A_513 = tpu.memref_slice %arg6[%dma_start3A_495, %dma_start3A_511, %dma_start3A_512] : memref<4x104x128xf32, #tpu.memory_space<vmem>> -> memref<1x26x64xf32, #tpu.memory_space<vmem>>
        %dma_start3A_514 = tpu.memref_squeeze %dma_start3A_513 : memref<1x26x64xf32, #tpu.memory_space<vmem>> -> memref<26x64xf32, #tpu.memory_space<vmem>>
        tpu.enqueue_dma source(%dma_start3A_514 : memref<26x64xf32, #tpu.memory_space<vmem>>) target(%dma_start3A_510 : memref<26x64xf32, #tpu.memory_space<hbm>>) target_semaphore(%dma_start3A_506 : memref<!tpu.dma_semaphore, #tpu.memory_space<semaphore_mem>>)
        %mul3A_515 = arith.constant 4 : i32
        %mul3A_516 = arith.muli %add3A_452, %mul3A_515 : i32
        %add3A_517 = arith.addi %mul3A_2, %mul3A_516 : i32
        %add3A_518 = arith.constant 1 : i32
        %add3A_519 = arith.addi %add3A_517, %add3A_518 : i32
        %dma_start3A_520 = arith.constant 1 : i32
        %dma_start3A_521 = arith.constant 1 : i32
        %dma_start3A_522 = arith.constant 26 : i32
        %dma_start3A_523 = arith.constant 0 : i32
        %dma_start3A_524 = tpu.memref_slice %arg6[%dma_start3A_520, %dma_start3A_522, %dma_start3A_523] : memref<4x104x128xf32, #tpu.memory_space<vmem>> -> memref<1x26x64xf32, #tpu.memory_space<vmem>>
        %dma_start3A_525 = tpu.memref_squeeze %dma_start3A_524 : memref<1x26x64xf32, #tpu.memory_space<vmem>> -> memref<26x64xf32, #tpu.memory_space<vmem>>
        %dma_start3A_526 = arith.constant 0 : i32
        %dma_start3A_527 = arith.constant 0 : i32
        %dma_start3A_528 = tpu.memref_slice %arg4[%add3A_519, %dma_start3A_526, %dma_start3A_527] : memref<4096x32x128xf32, #tpu.memory_space<hbm>> -> memref<1x26x64xf32, #tpu.memory_space<hbm>>
        %dma_start3A_529 = tpu.memref_squeeze %dma_start3A_528 : memref<1x26x64xf32, #tpu.memory_space<hbm>> -> memref<26x64xf32, #tpu.memory_space<hbm>>
        %dma_start3A_530 = tpu.memref_slice %arg8[%dma_start3A_521] : memref<4x!tpu.dma_semaphore, #tpu.memory_space<semaphore_mem>> -> memref<1x!tpu.dma_semaphore, #tpu.memory_space<semaphore_mem>>
        %dma_start3A_531 = tpu.memref_squeeze %dma_start3A_530 : memref<1x!tpu.dma_semaphore, #tpu.memory_space<semaphore_mem>> -> memref<!tpu.dma_semaphore, #tpu.memory_space<semaphore_mem>>
        %dma_start3A_532 = arith.constant 0 : i32
        %dma_start3A_533 = arith.constant 0 : i32
        %dma_start3A_534 = tpu.memref_slice %arg4[%add3A_519, %dma_start3A_532, %dma_start3A_533] : memref<4096x32x128xf32, #tpu.memory_space<hbm>> -> memref<1x26x64xf32, #tpu.memory_space<hbm>>
        %dma_start3A_535 = tpu.memref_squeeze %dma_start3A_534 : memref<1x26x64xf32, #tpu.memory_space<hbm>> -> memref<26x64xf32, #tpu.memory_space<hbm>>
        %dma_start3A_536 = arith.constant 26 : i32
        %dma_start3A_537 = arith.constant 0 : i32
        %dma_start3A_538 = tpu.memref_slice %arg6[%dma_start3A_520, %dma_start3A_536, %dma_start3A_537] : memref<4x104x128xf32, #tpu.memory_space<vmem>> -> memref<1x26x64xf32, #tpu.memory_space<vmem>>
        %dma_start3A_539 = tpu.memref_squeeze %dma_start3A_538 : memref<1x26x64xf32, #tpu.memory_space<vmem>> -> memref<26x64xf32, #tpu.memory_space<vmem>>
        tpu.enqueue_dma source(%dma_start3A_539 : memref<26x64xf32, #tpu.memory_space<vmem>>) target(%dma_start3A_535 : memref<26x64xf32, #tpu.memory_space<hbm>>) target_semaphore(%dma_start3A_531 : memref<!tpu.dma_semaphore, #tpu.memory_space<semaphore_mem>>)
        %mul3A_540 = arith.constant 4 : i32
        %mul3A_541 = arith.muli %add3A_452, %mul3A_540 : i32
        %add3A_542 = arith.addi %mul3A_2, %mul3A_541 : i32
        %add3A_543 = arith.constant 2 : i32
        %add3A_544 = arith.addi %add3A_542, %add3A_543 : i32
        %dma_start3A_545 = arith.constant 1 : i32
        %dma_start3A_546 = arith.constant 1 : i32
        %dma_start3A_547 = arith.constant 52 : i32
        %dma_start3A_548 = arith.constant 0 : i32
        %dma_start3A_549 = tpu.memref_slice %arg6[%dma_start3A_545, %dma_start3A_547, %dma_start3A_548] : memref<4x104x128xf32, #tpu.memory_space<vmem>> -> memref<1x26x64xf32, #tpu.memory_space<vmem>>
        %dma_start3A_550 = tpu.memref_squeeze %dma_start3A_549 : memref<1x26x64xf32, #tpu.memory_space<vmem>> -> memref<26x64xf32, #tpu.memory_space<vmem>>
        %dma_start3A_551 = arith.constant 0 : i32
        %dma_start3A_552 = arith.constant 0 : i32
        %dma_start3A_553 = tpu.memref_slice %arg4[%add3A_544, %dma_start3A_551, %dma_start3A_552] : memref<4096x32x128xf32, #tpu.memory_space<hbm>> -> memref<1x26x64xf32, #tpu.memory_space<hbm>>
        %dma_start3A_554 = tpu.memref_squeeze %dma_start3A_553 : memref<1x26x64xf32, #tpu.memory_space<hbm>> -> memref<26x64xf32, #tpu.memory_space<hbm>>
        %dma_start3A_555 = tpu.memref_slice %arg8[%dma_start3A_546] : memref<4x!tpu.dma_semaphore, #tpu.memory_space<semaphore_mem>> -> memref<1x!tpu.dma_semaphore, #tpu.memory_space<semaphore_mem>>
        %dma_start3A_556 = tpu.memref_squeeze %dma_start3A_555 : memref<1x!tpu.dma_semaphore, #tpu.memory_space<semaphore_mem>> -> memref<!tpu.dma_semaphore, #tpu.memory_space<semaphore_mem>>
        %dma_start3A_557 = arith.constant 0 : i32
        %dma_start3A_558 = arith.constant 0 : i32
        %dma_start3A_559 = tpu.memref_slice %arg4[%add3A_544, %dma_start3A_557, %dma_start3A_558] : memref<4096x32x128xf32, #tpu.memory_space<hbm>> -> memref<1x26x64xf32, #tpu.memory_space<hbm>>
        %dma_start3A_560 = tpu.memref_squeeze %dma_start3A_559 : memref<1x26x64xf32, #tpu.memory_space<hbm>> -> memref<26x64xf32, #tpu.memory_space<hbm>>
        %dma_start3A_561 = arith.constant 52 : i32
        %dma_start3A_562 = arith.constant 0 : i32
        %dma_start3A_563 = tpu.memref_slice %arg6[%dma_start3A_545, %dma_start3A_561, %dma_start3A_562] : memref<4x104x128xf32, #tpu.memory_space<vmem>> -> memref<1x26x64xf32, #tpu.memory_space<vmem>>
        %dma_start3A_564 = tpu.memref_squeeze %dma_start3A_563 : memref<1x26x64xf32, #tpu.memory_space<vmem>> -> memref<26x64xf32, #tpu.memory_space<vmem>>
        tpu.enqueue_dma source(%dma_start3A_564 : memref<26x64xf32, #tpu.memory_space<vmem>>) target(%dma_start3A_560 : memref<26x64xf32, #tpu.memory_space<hbm>>) target_semaphore(%dma_start3A_556 : memref<!tpu.dma_semaphore, #tpu.memory_space<semaphore_mem>>)
        %mul3A_565 = arith.constant 4 : i32
        %mul3A_566 = arith.muli %add3A_452, %mul3A_565 : i32
        %add3A_567 = arith.addi %mul3A_2, %mul3A_566 : i32
        %add3A_568 = arith.constant 3 : i32
        %add3A_569 = arith.addi %add3A_567, %add3A_568 : i32
        %dma_start3A_570 = arith.constant 1 : i32
        %dma_start3A_571 = arith.constant 1 : i32
        %dma_start3A_572 = arith.constant 78 : i32
        %dma_start3A_573 = arith.constant 0 : i32
        %dma_start3A_574 = tpu.memref_slice %arg6[%dma_start3A_570, %dma_start3A_572, %dma_start3A_573] : memref<4x104x128xf32, #tpu.memory_space<vmem>> -> memref<1x26x64xf32, #tpu.memory_space<vmem>>
        %dma_start3A_575 = tpu.memref_squeeze %dma_start3A_574 : memref<1x26x64xf32, #tpu.memory_space<vmem>> -> memref<26x64xf32, #tpu.memory_space<vmem>>
        %dma_start3A_576 = arith.constant 0 : i32
        %dma_start3A_577 = arith.constant 0 : i32
        %dma_start3A_578 = tpu.memref_slice %arg4[%add3A_569, %dma_start3A_576, %dma_start3A_577] : memref<4096x32x128xf32, #tpu.memory_space<hbm>> -> memref<1x26x64xf32, #tpu.memory_space<hbm>>
        %dma_start3A_579 = tpu.memref_squeeze %dma_start3A_578 : memref<1x26x64xf32, #tpu.memory_space<hbm>> -> memref<26x64xf32, #tpu.memory_space<hbm>>
        %dma_start3A_580 = tpu.memref_slice %arg8[%dma_start3A_571] : memref<4x!tpu.dma_semaphore, #tpu.memory_space<semaphore_mem>> -> memref<1x!tpu.dma_semaphore, #tpu.memory_space<semaphore_mem>>
        %dma_start3A_581 = tpu.memref_squeeze %dma_start3A_580 : memref<1x!tpu.dma_semaphore, #tpu.memory_space<semaphore_mem>> -> memref<!tpu.dma_semaphore, #tpu.memory_space<semaphore_mem>>
        %dma_start3A_582 = arith.constant 0 : i32
        %dma_start3A_583 = arith.constant 0 : i32
        %dma_start3A_584 = tpu.memref_slice %arg4[%add3A_569, %dma_start3A_582, %dma_start3A_583] : memref<4096x32x128xf32, #tpu.memory_space<hbm>> -> memref<1x26x64xf32, #tpu.memory_space<hbm>>
        %dma_start3A_585 = tpu.memref_squeeze %dma_start3A_584 : memref<1x26x64xf32, #tpu.memory_space<hbm>> -> memref<26x64xf32, #tpu.memory_space<hbm>>
        %dma_start3A_586 = arith.constant 78 : i32
        %dma_start3A_587 = arith.constant 0 : i32
        %dma_start3A_588 = tpu.memref_slice %arg6[%dma_start3A_570, %dma_start3A_586, %dma_start3A_587] : memref<4x104x128xf32, #tpu.memory_space<vmem>> -> memref<1x26x64xf32, #tpu.memory_space<vmem>>
        %dma_start3A_589 = tpu.memref_squeeze %dma_start3A_588 : memref<1x26x64xf32, #tpu.memory_space<vmem>> -> memref<26x64xf32, #tpu.memory_space<vmem>>
        tpu.enqueue_dma source(%dma_start3A_589 : memref<26x64xf32, #tpu.memory_space<vmem>>) target(%dma_start3A_585 : memref<26x64xf32, #tpu.memory_space<hbm>>) target_semaphore(%dma_start3A_581 : memref<!tpu.dma_semaphore, #tpu.memory_space<semaphore_mem>>)
        %add3A_590 = arith.constant 4 : i32
        %add3A_591 = arith.addi %add3A_452, %add3A_590 : i32
        %lt3A_592 = arith.constant 32 : i32
        %lt3A_593 = arith.cmpi slt, %add3A_591, %lt3A_592 : i32
        %convert_element_type3A_594 = arith.extui %lt3A_593 : i1 to i32
        %cond3A_595 = arith.constant 0 : i32
        %cond3A_596 = arith.cmpi ne, %convert_element_type3A_594, %cond3A_595 : i32
        scf.if %cond3A_596 {
          %mul3A_597 = arith.constant 4 : i32
          %mul3A_598 = arith.muli %add3A_452, %mul3A_597 : i32
          %add3A_599 = arith.addi %mul3A_2, %mul3A_598 : i32
          %add3A_600 = arith.constant 0 : i32
          %add3A_601 = arith.addi %add3A_599, %add3A_600 : i32
          %dma_wait3A_602 = arith.constant 1 : i32
          %dma_wait3A_603 = arith.constant 1 : i32
          %dma_wait3A_604 = arith.constant 0 : i32
          %dma_wait3A_605 = arith.constant 0 : i32
          %dma_wait3A_606 = tpu.memref_slice %arg6[%dma_wait3A_602, %dma_wait3A_604, %dma_wait3A_605] : memref<4x104x128xf32, #tpu.memory_space<vmem>> -> memref<1x26x64xf32, #tpu.memory_space<vmem>>
          %dma_wait3A_607 = tpu.memref_squeeze %dma_wait3A_606 : memref<1x26x64xf32, #tpu.memory_space<vmem>> -> memref<26x64xf32, #tpu.memory_space<vmem>>
          %dma_wait3A_608 = arith.constant 0 : i32
          %dma_wait3A_609 = arith.constant 0 : i32
          %dma_wait3A_610 = tpu.memref_slice %arg4[%add3A_601, %dma_wait3A_608, %dma_wait3A_609] : memref<4096x32x128xf32, #tpu.memory_space<hbm>> -> memref<1x26x64xf32, #tpu.memory_space<hbm>>
          %dma_wait3A_611 = tpu.memref_squeeze %dma_wait3A_610 : memref<1x26x64xf32, #tpu.memory_space<hbm>> -> memref<26x64xf32, #tpu.memory_space<hbm>>
          %dma_wait3A_612 = tpu.memref_slice %arg8[%dma_wait3A_603] : memref<4x!tpu.dma_semaphore, #tpu.memory_space<semaphore_mem>> -> memref<1x!tpu.dma_semaphore, #tpu.memory_space<semaphore_mem>>
          %dma_wait3A_613 = tpu.memref_squeeze %dma_wait3A_612 : memref<1x!tpu.dma_semaphore, #tpu.memory_space<semaphore_mem>> -> memref<!tpu.dma_semaphore, #tpu.memory_space<semaphore_mem>>
          %dma_wait3A_614 = arith.constant 0 : i32
          %dma_wait3A_615 = arith.constant 0 : i32
          %dma_wait3A_616 = tpu.memref_slice %arg4[%add3A_601, %dma_wait3A_614, %dma_wait3A_615] : memref<4096x32x128xf32, #tpu.memory_space<hbm>> -> memref<1x26x64xf32, #tpu.memory_space<hbm>>
          %dma_wait3A_617 = tpu.memref_squeeze %dma_wait3A_616 : memref<1x26x64xf32, #tpu.memory_space<hbm>> -> memref<26x64xf32, #tpu.memory_space<hbm>>
          %dma_wait3A_618 = arith.constant 0 : i32
          %dma_wait3A_619 = arith.constant 0 : i32
          %dma_wait3A_620 = tpu.memref_slice %arg6[%dma_wait3A_602, %dma_wait3A_618, %dma_wait3A_619] : memref<4x104x128xf32, #tpu.memory_space<vmem>> -> memref<1x26x64xf32, #tpu.memory_space<vmem>>
          %dma_wait3A_621 = tpu.memref_squeeze %dma_wait3A_620 : memref<1x26x64xf32, #tpu.memory_space<vmem>> -> memref<26x64xf32, #tpu.memory_space<vmem>>
          tpu.wait_dma2 semaphore(%dma_wait3A_613 : memref<!tpu.dma_semaphore, #tpu.memory_space<semaphore_mem>>) src(%dma_wait3A_621 : memref<26x64xf32, #tpu.memory_space<vmem>>) dst(%dma_wait3A_617 : memref<26x64xf32, #tpu.memory_space<hbm>>)
          %mul3A_622 = arith.constant 4 : i32
          %mul3A_623 = arith.muli %add3A_452, %mul3A_622 : i32
          %add3A_624 = arith.addi %mul3A_2, %mul3A_623 : i32
          %add3A_625 = arith.constant 1 : i32
          %add3A_626 = arith.addi %add3A_624, %add3A_625 : i32
          %dma_wait3A_627 = arith.constant 1 : i32
          %dma_wait3A_628 = arith.constant 1 : i32
          %dma_wait3A_629 = arith.constant 26 : i32
          %dma_wait3A_630 = arith.constant 0 : i32
          %dma_wait3A_631 = tpu.memref_slice %arg6[%dma_wait3A_627, %dma_wait3A_629, %dma_wait3A_630] : memref<4x104x128xf32, #tpu.memory_space<vmem>> -> memref<1x26x64xf32, #tpu.memory_space<vmem>>
          %dma_wait3A_632 = tpu.memref_squeeze %dma_wait3A_631 : memref<1x26x64xf32, #tpu.memory_space<vmem>> -> memref<26x64xf32, #tpu.memory_space<vmem>>
          %dma_wait3A_633 = arith.constant 0 : i32
          %dma_wait3A_634 = arith.constant 0 : i32
          %dma_wait3A_635 = tpu.memref_slice %arg4[%add3A_626, %dma_wait3A_633, %dma_wait3A_634] : memref<4096x32x128xf32, #tpu.memory_space<hbm>> -> memref<1x26x64xf32, #tpu.memory_space<hbm>>
          %dma_wait3A_636 = tpu.memref_squeeze %dma_wait3A_635 : memref<1x26x64xf32, #tpu.memory_space<hbm>> -> memref<26x64xf32, #tpu.memory_space<hbm>>
          %dma_wait3A_637 = tpu.memref_slice %arg8[%dma_wait3A_628] : memref<4x!tpu.dma_semaphore, #tpu.memory_space<semaphore_mem>> -> memref<1x!tpu.dma_semaphore, #tpu.memory_space<semaphore_mem>>
          %dma_wait3A_638 = tpu.memref_squeeze %dma_wait3A_637 : memref<1x!tpu.dma_semaphore, #tpu.memory_space<semaphore_mem>> -> memref<!tpu.dma_semaphore, #tpu.memory_space<semaphore_mem>>
          %dma_wait3A_639 = arith.constant 0 : i32
          %dma_wait3A_640 = arith.constant 0 : i32
          %dma_wait3A_641 = tpu.memref_slice %arg4[%add3A_626, %dma_wait3A_639, %dma_wait3A_640] : memref<4096x32x128xf32, #tpu.memory_space<hbm>> -> memref<1x26x64xf32, #tpu.memory_space<hbm>>
          %dma_wait3A_642 = tpu.memref_squeeze %dma_wait3A_641 : memref<1x26x64xf32, #tpu.memory_space<hbm>> -> memref<26x64xf32, #tpu.memory_space<hbm>>
          %dma_wait3A_643 = arith.constant 26 : i32
          %dma_wait3A_644 = arith.constant 0 : i32
          %dma_wait3A_645 = tpu.memref_slice %arg6[%dma_wait3A_627, %dma_wait3A_643, %dma_wait3A_644] : memref<4x104x128xf32, #tpu.memory_space<vmem>> -> memref<1x26x64xf32, #tpu.memory_space<vmem>>
          %dma_wait3A_646 = tpu.memref_squeeze %dma_wait3A_645 : memref<1x26x64xf32, #tpu.memory_space<vmem>> -> memref<26x64xf32, #tpu.memory_space<vmem>>
          tpu.wait_dma2 semaphore(%dma_wait3A_638 : memref<!tpu.dma_semaphore, #tpu.memory_space<semaphore_mem>>) src(%dma_wait3A_646 : memref<26x64xf32, #tpu.memory_space<vmem>>) dst(%dma_wait3A_642 : memref<26x64xf32, #tpu.memory_space<hbm>>)
          %mul3A_647 = arith.constant 4 : i32
          %mul3A_648 = arith.muli %add3A_452, %mul3A_647 : i32
          %add3A_649 = arith.addi %mul3A_2, %mul3A_648 : i32
          %add3A_650 = arith.constant 2 : i32
          %add3A_651 = arith.addi %add3A_649, %add3A_650 : i32
          %dma_wait3A_652 = arith.constant 1 : i32
          %dma_wait3A_653 = arith.constant 1 : i32
          %dma_wait3A_654 = arith.constant 52 : i32
          %dma_wait3A_655 = arith.constant 0 : i32
          %dma_wait3A_656 = tpu.memref_slice %arg6[%dma_wait3A_652, %dma_wait3A_654, %dma_wait3A_655] : memref<4x104x128xf32, #tpu.memory_space<vmem>> -> memref<1x26x64xf32, #tpu.memory_space<vmem>>
          %dma_wait3A_657 = tpu.memref_squeeze %dma_wait3A_656 : memref<1x26x64xf32, #tpu.memory_space<vmem>> -> memref<26x64xf32, #tpu.memory_space<vmem>>
          %dma_wait3A_658 = arith.constant 0 : i32
          %dma_wait3A_659 = arith.constant 0 : i32
          %dma_wait3A_660 = tpu.memref_slice %arg4[%add3A_651, %dma_wait3A_658, %dma_wait3A_659] : memref<4096x32x128xf32, #tpu.memory_space<hbm>> -> memref<1x26x64xf32, #tpu.memory_space<hbm>>
          %dma_wait3A_661 = tpu.memref_squeeze %dma_wait3A_660 : memref<1x26x64xf32, #tpu.memory_space<hbm>> -> memref<26x64xf32, #tpu.memory_space<hbm>>
          %dma_wait3A_662 = tpu.memref_slice %arg8[%dma_wait3A_653] : memref<4x!tpu.dma_semaphore, #tpu.memory_space<semaphore_mem>> -> memref<1x!tpu.dma_semaphore, #tpu.memory_space<semaphore_mem>>
          %dma_wait3A_663 = tpu.memref_squeeze %dma_wait3A_662 : memref<1x!tpu.dma_semaphore, #tpu.memory_space<semaphore_mem>> -> memref<!tpu.dma_semaphore, #tpu.memory_space<semaphore_mem>>
          %dma_wait3A_664 = arith.constant 0 : i32
          %dma_wait3A_665 = arith.constant 0 : i32
          %dma_wait3A_666 = tpu.memref_slice %arg4[%add3A_651, %dma_wait3A_664, %dma_wait3A_665] : memref<4096x32x128xf32, #tpu.memory_space<hbm>> -> memref<1x26x64xf32, #tpu.memory_space<hbm>>
          %dma_wait3A_667 = tpu.memref_squeeze %dma_wait3A_666 : memref<1x26x64xf32, #tpu.memory_space<hbm>> -> memref<26x64xf32, #tpu.memory_space<hbm>>
          %dma_wait3A_668 = arith.constant 52 : i32
          %dma_wait3A_669 = arith.constant 0 : i32
          %dma_wait3A_670 = tpu.memref_slice %arg6[%dma_wait3A_652, %dma_wait3A_668, %dma_wait3A_669] : memref<4x104x128xf32, #tpu.memory_space<vmem>> -> memref<1x26x64xf32, #tpu.memory_space<vmem>>
          %dma_wait3A_671 = tpu.memref_squeeze %dma_wait3A_670 : memref<1x26x64xf32, #tpu.memory_space<vmem>> -> memref<26x64xf32, #tpu.memory_space<vmem>>
          tpu.wait_dma2 semaphore(%dma_wait3A_663 : memref<!tpu.dma_semaphore, #tpu.memory_space<semaphore_mem>>) src(%dma_wait3A_671 : memref<26x64xf32, #tpu.memory_space<vmem>>) dst(%dma_wait3A_667 : memref<26x64xf32, #tpu.memory_space<hbm>>)
          %mul3A_672 = arith.constant 4 : i32
          %mul3A_673 = arith.muli %add3A_452, %mul3A_672 : i32
          %add3A_674 = arith.addi %mul3A_2, %mul3A_673 : i32
          %add3A_675 = arith.constant 3 : i32
          %add3A_676 = arith.addi %add3A_674, %add3A_675 : i32
          %dma_wait3A_677 = arith.constant 1 : i32
          %dma_wait3A_678 = arith.constant 1 : i32
          %dma_wait3A_679 = arith.constant 78 : i32
          %dma_wait3A_680 = arith.constant 0 : i32
          %dma_wait3A_681 = tpu.memref_slice %arg6[%dma_wait3A_677, %dma_wait3A_679, %dma_wait3A_680] : memref<4x104x128xf32, #tpu.memory_space<vmem>> -> memref<1x26x64xf32, #tpu.memory_space<vmem>>
          %dma_wait3A_682 = tpu.memref_squeeze %dma_wait3A_681 : memref<1x26x64xf32, #tpu.memory_space<vmem>> -> memref<26x64xf32, #tpu.memory_space<vmem>>
          %dma_wait3A_683 = arith.constant 0 : i32
          %dma_wait3A_684 = arith.constant 0 : i32
          %dma_wait3A_685 = tpu.memref_slice %arg4[%add3A_676, %dma_wait3A_683, %dma_wait3A_684] : memref<4096x32x128xf32, #tpu.memory_space<hbm>> -> memref<1x26x64xf32, #tpu.memory_space<hbm>>
          %dma_wait3A_686 = tpu.memref_squeeze %dma_wait3A_685 : memref<1x26x64xf32, #tpu.memory_space<hbm>> -> memref<26x64xf32, #tpu.memory_space<hbm>>
          %dma_wait3A_687 = tpu.memref_slice %arg8[%dma_wait3A_678] : memref<4x!tpu.dma_semaphore, #tpu.memory_space<semaphore_mem>> -> memref<1x!tpu.dma_semaphore, #tpu.memory_space<semaphore_mem>>
          %dma_wait3A_688 = tpu.memref_squeeze %dma_wait3A_687 : memref<1x!tpu.dma_semaphore, #tpu.memory_space<semaphore_mem>> -> memref<!tpu.dma_semaphore, #tpu.memory_space<semaphore_mem>>
          %dma_wait3A_689 = arith.constant 0 : i32
          %dma_wait3A_690 = arith.constant 0 : i32
          %dma_wait3A_691 = tpu.memref_slice %arg4[%add3A_676, %dma_wait3A_689, %dma_wait3A_690] : memref<4096x32x128xf32, #tpu.memory_space<hbm>> -> memref<1x26x64xf32, #tpu.memory_space<hbm>>
          %dma_wait3A_692 = tpu.memref_squeeze %dma_wait3A_691 : memref<1x26x64xf32, #tpu.memory_space<hbm>> -> memref<26x64xf32, #tpu.memory_space<hbm>>
          %dma_wait3A_693 = arith.constant 78 : i32
          %dma_wait3A_694 = arith.constant 0 : i32
          %dma_wait3A_695 = tpu.memref_slice %arg6[%dma_wait3A_677, %dma_wait3A_693, %dma_wait3A_694] : memref<4x104x128xf32, #tpu.memory_space<vmem>> -> memref<1x26x64xf32, #tpu.memory_space<vmem>>
          %dma_wait3A_696 = tpu.memref_squeeze %dma_wait3A_695 : memref<1x26x64xf32, #tpu.memory_space<vmem>> -> memref<26x64xf32, #tpu.memory_space<vmem>>
          tpu.wait_dma2 semaphore(%dma_wait3A_688 : memref<!tpu.dma_semaphore, #tpu.memory_space<semaphore_mem>>) src(%dma_wait3A_696 : memref<26x64xf32, #tpu.memory_space<vmem>>) dst(%dma_wait3A_692 : memref<26x64xf32, #tpu.memory_space<hbm>>)
          %add3A_697 = arith.constant 4 : i32
          %add3A_698 = arith.addi %add3A_452, %add3A_697 : i32
          %mul3A_699 = arith.constant 104 : i32
          %mul3A_700 = arith.muli %add3A_698, %mul3A_699 : i32
          %dma_start3A_701 = arith.constant 1 : i32
          %dma_start3A_702 = arith.constant 1 : i32
          %dma_start3A_703 = arith.constant 0 : i32
          %dma_start3A_704 = arith.constant 0 : i32
          %dma_start3A_705 = tpu.memref_slice %arg6[%dma_start3A_701, %dma_start3A_703, %dma_start3A_704] : memref<4x104x128xf32, #tpu.memory_space<vmem>> -> memref<1x104x128xf32, #tpu.memory_space<vmem>>
          %dma_start3A_706 = tpu.memref_squeeze %dma_start3A_705 : memref<1x104x128xf32, #tpu.memory_space<vmem>> -> memref<104x128xf32, #tpu.memory_space<vmem>>
          %dma_start3A_707 = tpu.memref_slice %arg5[%mul3A_700] : memref<3328xi32, #tpu.memory_space<vmem>> -> memref<104xi32, #tpu.memory_space<vmem>>
          %dma_start3A_708 = arith.constant 0 : i32
          %dma_start3A_709 = arith.constant 0 : i32
          %dma_start3A_710 = tpu.memref_slice %arg3[%dma_start3A_708, %dma_start3A_709] : memref<100000x128xf32, #tpu.memory_space<hbm>> -> memref<100000x128xf32, #tpu.memory_space<hbm>>
          %dma_start3A_711 = tpu.memref_slice %arg7[%dma_start3A_702] : memref<4x!tpu.dma_semaphore, #tpu.memory_space<semaphore_mem>> -> memref<1x!tpu.dma_semaphore, #tpu.memory_space<semaphore_mem>>
          %dma_start3A_712 = tpu.memref_squeeze %dma_start3A_711 : memref<1x!tpu.dma_semaphore, #tpu.memory_space<semaphore_mem>> -> memref<!tpu.dma_semaphore, #tpu.memory_space<semaphore_mem>>
          tpu.enqueue_indirect_dma source(%dma_start3A_710 : memref<100000x128xf32, #tpu.memory_space<hbm>>) target(%dma_start3A_706 : memref<104x128xf32, #tpu.memory_space<vmem>>) offsets(%dma_start3A_707 : memref<104xi32, #tpu.memory_space<vmem>>) semaphore(%dma_start3A_712 : memref<!tpu.dma_semaphore, #tpu.memory_space<semaphore_mem>>)
        } else {
        }
      } else {
      }
      %mul3A_458 = arith.constant 4 : i32
      %mul3A_459 = arith.muli %scan3A_442, %mul3A_458 : i32
      %add3A_460 = arith.constant 2 : i32
      %add3A_461 = arith.addi %mul3A_459, %add3A_460 : i32
      %lt3A_462 = arith.constant 32 : i32
      %lt3A_463 = arith.cmpi slt, %add3A_461, %lt3A_462 : i32
      %convert_element_type3A_464 = arith.extui %lt3A_463 : i1 to i32
      %cond3A_465 = arith.constant 0 : i32
      %cond3A_466 = arith.cmpi ne, %convert_element_type3A_464, %cond3A_465 : i32
      scf.if %cond3A_466 {
        %mul3A_476 = arith.constant 104 : i32
        %mul3A_477 = arith.muli %add3A_461, %mul3A_476 : i32
        %dma_wait3A_478 = arith.constant 2 : i32
        %dma_wait3A_479 = arith.constant 2 : i32
        %dma_wait3A_480 = arith.constant 0 : i32
        %dma_wait3A_481 = arith.constant 0 : i32
        %dma_wait3A_482 = tpu.memref_slice %arg6[%dma_wait3A_478, %dma_wait3A_480, %dma_wait3A_481] : memref<4x104x128xf32, #tpu.memory_space<vmem>> -> memref<1x104x128xf32, #tpu.memory_space<vmem>>
        %dma_wait3A_483 = tpu.memref_squeeze %dma_wait3A_482 : memref<1x104x128xf32, #tpu.memory_space<vmem>> -> memref<104x128xf32, #tpu.memory_space<vmem>>
        %dma_wait3A_484 = tpu.memref_slice %arg5[%mul3A_477] : memref<3328xi32, #tpu.memory_space<vmem>> -> memref<104xi32, #tpu.memory_space<vmem>>
        %dma_wait3A_485 = arith.constant 0 : i32
        %dma_wait3A_486 = arith.constant 0 : i32
        %dma_wait3A_487 = tpu.memref_slice %arg3[%dma_wait3A_485, %dma_wait3A_486] : memref<100000x128xf32, #tpu.memory_space<hbm>> -> memref<100000x128xf32, #tpu.memory_space<hbm>>
        %dma_wait3A_488 = tpu.memref_slice %arg7[%dma_wait3A_479] : memref<4x!tpu.dma_semaphore, #tpu.memory_space<semaphore_mem>> -> memref<1x!tpu.dma_semaphore, #tpu.memory_space<semaphore_mem>>
        %dma_wait3A_489 = tpu.memref_squeeze %dma_wait3A_488 : memref<1x!tpu.dma_semaphore, #tpu.memory_space<semaphore_mem>> -> memref<!tpu.dma_semaphore, #tpu.memory_space<semaphore_mem>>
        tpu.wait_indirect_dma semaphore(%dma_wait3A_489 : memref<!tpu.dma_semaphore, #tpu.memory_space<semaphore_mem>>) src(%dma_wait3A_487 : memref<100000x128xf32, #tpu.memory_space<hbm>>) dst(%dma_wait3A_483 : memref<104x128xf32, #tpu.memory_space<vmem>>)
        %mul3A_490 = arith.constant 4 : i32
        %mul3A_491 = arith.muli %add3A_461, %mul3A_490 : i32
        %add3A_492 = arith.addi %mul3A_2, %mul3A_491 : i32
        %add3A_493 = arith.constant 0 : i32
        %add3A_494 = arith.addi %add3A_492, %add3A_493 : i32
        %dma_start3A_495 = arith.constant 2 : i32
        %dma_start3A_496 = arith.constant 2 : i32
        %dma_start3A_497 = arith.constant 0 : i32
        %dma_start3A_498 = arith.constant 0 : i32
        %dma_start3A_499 = tpu.memref_slice %arg6[%dma_start3A_495, %dma_start3A_497, %dma_start3A_498] : memref<4x104x128xf32, #tpu.memory_space<vmem>> -> memref<1x26x64xf32, #tpu.memory_space<vmem>>
        %dma_start3A_500 = tpu.memref_squeeze %dma_start3A_499 : memref<1x26x64xf32, #tpu.memory_space<vmem>> -> memref<26x64xf32, #tpu.memory_space<vmem>>
        %dma_start3A_501 = arith.constant 0 : i32
        %dma_start3A_502 = arith.constant 0 : i32
        %dma_start3A_503 = tpu.memref_slice %arg4[%add3A_494, %dma_start3A_501, %dma_start3A_502] : memref<4096x32x128xf32, #tpu.memory_space<hbm>> -> memref<1x26x64xf32, #tpu.memory_space<hbm>>
        %dma_start3A_504 = tpu.memref_squeeze %dma_start3A_503 : memref<1x26x64xf32, #tpu.memory_space<hbm>> -> memref<26x64xf32, #tpu.memory_space<hbm>>
        %dma_start3A_505 = tpu.memref_slice %arg8[%dma_start3A_496] : memref<4x!tpu.dma_semaphore, #tpu.memory_space<semaphore_mem>> -> memref<1x!tpu.dma_semaphore, #tpu.memory_space<semaphore_mem>>
        %dma_start3A_506 = tpu.memref_squeeze %dma_start3A_505 : memref<1x!tpu.dma_semaphore, #tpu.memory_space<semaphore_mem>> -> memref<!tpu.dma_semaphore, #tpu.memory_space<semaphore_mem>>
        %dma_start3A_507 = arith.constant 0 : i32
        %dma_start3A_508 = arith.constant 0 : i32
        %dma_start3A_509 = tpu.memref_slice %arg4[%add3A_494, %dma_start3A_507, %dma_start3A_508] : memref<4096x32x128xf32, #tpu.memory_space<hbm>> -> memref<1x26x64xf32, #tpu.memory_space<hbm>>
        %dma_start3A_510 = tpu.memref_squeeze %dma_start3A_509 : memref<1x26x64xf32, #tpu.memory_space<hbm>> -> memref<26x64xf32, #tpu.memory_space<hbm>>
        %dma_start3A_511 = arith.constant 0 : i32
        %dma_start3A_512 = arith.constant 0 : i32
        %dma_start3A_513 = tpu.memref_slice %arg6[%dma_start3A_495, %dma_start3A_511, %dma_start3A_512] : memref<4x104x128xf32, #tpu.memory_space<vmem>> -> memref<1x26x64xf32, #tpu.memory_space<vmem>>
        %dma_start3A_514 = tpu.memref_squeeze %dma_start3A_513 : memref<1x26x64xf32, #tpu.memory_space<vmem>> -> memref<26x64xf32, #tpu.memory_space<vmem>>
        tpu.enqueue_dma source(%dma_start3A_514 : memref<26x64xf32, #tpu.memory_space<vmem>>) target(%dma_start3A_510 : memref<26x64xf32, #tpu.memory_space<hbm>>) target_semaphore(%dma_start3A_506 : memref<!tpu.dma_semaphore, #tpu.memory_space<semaphore_mem>>)
        %mul3A_515 = arith.constant 4 : i32
        %mul3A_516 = arith.muli %add3A_461, %mul3A_515 : i32
        %add3A_517 = arith.addi %mul3A_2, %mul3A_516 : i32
        %add3A_518 = arith.constant 1 : i32
        %add3A_519 = arith.addi %add3A_517, %add3A_518 : i32
        %dma_start3A_520 = arith.constant 2 : i32
        %dma_start3A_521 = arith.constant 2 : i32
        %dma_start3A_522 = arith.constant 26 : i32
        %dma_start3A_523 = arith.constant 0 : i32
        %dma_start3A_524 = tpu.memref_slice %arg6[%dma_start3A_520, %dma_start3A_522, %dma_start3A_523] : memref<4x104x128xf32, #tpu.memory_space<vmem>> -> memref<1x26x64xf32, #tpu.memory_space<vmem>>
        %dma_start3A_525 = tpu.memref_squeeze %dma_start3A_524 : memref<1x26x64xf32, #tpu.memory_space<vmem>> -> memref<26x64xf32, #tpu.memory_space<vmem>>
        %dma_start3A_526 = arith.constant 0 : i32
        %dma_start3A_527 = arith.constant 0 : i32
        %dma_start3A_528 = tpu.memref_slice %arg4[%add3A_519, %dma_start3A_526, %dma_start3A_527] : memref<4096x32x128xf32, #tpu.memory_space<hbm>> -> memref<1x26x64xf32, #tpu.memory_space<hbm>>
        %dma_start3A_529 = tpu.memref_squeeze %dma_start3A_528 : memref<1x26x64xf32, #tpu.memory_space<hbm>> -> memref<26x64xf32, #tpu.memory_space<hbm>>
        %dma_start3A_530 = tpu.memref_slice %arg8[%dma_start3A_521] : memref<4x!tpu.dma_semaphore, #tpu.memory_space<semaphore_mem>> -> memref<1x!tpu.dma_semaphore, #tpu.memory_space<semaphore_mem>>
        %dma_start3A_531 = tpu.memref_squeeze %dma_start3A_530 : memref<1x!tpu.dma_semaphore, #tpu.memory_space<semaphore_mem>> -> memref<!tpu.dma_semaphore, #tpu.memory_space<semaphore_mem>>
        %dma_start3A_532 = arith.constant 0 : i32
        %dma_start3A_533 = arith.constant 0 : i32
        %dma_start3A_534 = tpu.memref_slice %arg4[%add3A_519, %dma_start3A_532, %dma_start3A_533] : memref<4096x32x128xf32, #tpu.memory_space<hbm>> -> memref<1x26x64xf32, #tpu.memory_space<hbm>>
        %dma_start3A_535 = tpu.memref_squeeze %dma_start3A_534 : memref<1x26x64xf32, #tpu.memory_space<hbm>> -> memref<26x64xf32, #tpu.memory_space<hbm>>
        %dma_start3A_536 = arith.constant 26 : i32
        %dma_start3A_537 = arith.constant 0 : i32
        %dma_start3A_538 = tpu.memref_slice %arg6[%dma_start3A_520, %dma_start3A_536, %dma_start3A_537] : memref<4x104x128xf32, #tpu.memory_space<vmem>> -> memref<1x26x64xf32, #tpu.memory_space<vmem>>
        %dma_start3A_539 = tpu.memref_squeeze %dma_start3A_538 : memref<1x26x64xf32, #tpu.memory_space<vmem>> -> memref<26x64xf32, #tpu.memory_space<vmem>>
        tpu.enqueue_dma source(%dma_start3A_539 : memref<26x64xf32, #tpu.memory_space<vmem>>) target(%dma_start3A_535 : memref<26x64xf32, #tpu.memory_space<hbm>>) target_semaphore(%dma_start3A_531 : memref<!tpu.dma_semaphore, #tpu.memory_space<semaphore_mem>>)
        %mul3A_540 = arith.constant 4 : i32
        %mul3A_541 = arith.muli %add3A_461, %mul3A_540 : i32
        %add3A_542 = arith.addi %mul3A_2, %mul3A_541 : i32
        %add3A_543 = arith.constant 2 : i32
        %add3A_544 = arith.addi %add3A_542, %add3A_543 : i32
        %dma_start3A_545 = arith.constant 2 : i32
        %dma_start3A_546 = arith.constant 2 : i32
        %dma_start3A_547 = arith.constant 52 : i32
        %dma_start3A_548 = arith.constant 0 : i32
        %dma_start3A_549 = tpu.memref_slice %arg6[%dma_start3A_545, %dma_start3A_547, %dma_start3A_548] : memref<4x104x128xf32, #tpu.memory_space<vmem>> -> memref<1x26x64xf32, #tpu.memory_space<vmem>>
        %dma_start3A_550 = tpu.memref_squeeze %dma_start3A_549 : memref<1x26x64xf32, #tpu.memory_space<vmem>> -> memref<26x64xf32, #tpu.memory_space<vmem>>
        %dma_start3A_551 = arith.constant 0 : i32
        %dma_start3A_552 = arith.constant 0 : i32
        %dma_start3A_553 = tpu.memref_slice %arg4[%add3A_544, %dma_start3A_551, %dma_start3A_552] : memref<4096x32x128xf32, #tpu.memory_space<hbm>> -> memref<1x26x64xf32, #tpu.memory_space<hbm>>
        %dma_start3A_554 = tpu.memref_squeeze %dma_start3A_553 : memref<1x26x64xf32, #tpu.memory_space<hbm>> -> memref<26x64xf32, #tpu.memory_space<hbm>>
        %dma_start3A_555 = tpu.memref_slice %arg8[%dma_start3A_546] : memref<4x!tpu.dma_semaphore, #tpu.memory_space<semaphore_mem>> -> memref<1x!tpu.dma_semaphore, #tpu.memory_space<semaphore_mem>>
        %dma_start3A_556 = tpu.memref_squeeze %dma_start3A_555 : memref<1x!tpu.dma_semaphore, #tpu.memory_space<semaphore_mem>> -> memref<!tpu.dma_semaphore, #tpu.memory_space<semaphore_mem>>
        %dma_start3A_557 = arith.constant 0 : i32
        %dma_start3A_558 = arith.constant 0 : i32
        %dma_start3A_559 = tpu.memref_slice %arg4[%add3A_544, %dma_start3A_557, %dma_start3A_558] : memref<4096x32x128xf32, #tpu.memory_space<hbm>> -> memref<1x26x64xf32, #tpu.memory_space<hbm>>
        %dma_start3A_560 = tpu.memref_squeeze %dma_start3A_559 : memref<1x26x64xf32, #tpu.memory_space<hbm>> -> memref<26x64xf32, #tpu.memory_space<hbm>>
        %dma_start3A_561 = arith.constant 52 : i32
        %dma_start3A_562 = arith.constant 0 : i32
        %dma_start3A_563 = tpu.memref_slice %arg6[%dma_start3A_545, %dma_start3A_561, %dma_start3A_562] : memref<4x104x128xf32, #tpu.memory_space<vmem>> -> memref<1x26x64xf32, #tpu.memory_space<vmem>>
        %dma_start3A_564 = tpu.memref_squeeze %dma_start3A_563 : memref<1x26x64xf32, #tpu.memory_space<vmem>> -> memref<26x64xf32, #tpu.memory_space<vmem>>
        tpu.enqueue_dma source(%dma_start3A_564 : memref<26x64xf32, #tpu.memory_space<vmem>>) target(%dma_start3A_560 : memref<26x64xf32, #tpu.memory_space<hbm>>) target_semaphore(%dma_start3A_556 : memref<!tpu.dma_semaphore, #tpu.memory_space<semaphore_mem>>)
        %mul3A_565 = arith.constant 4 : i32
        %mul3A_566 = arith.muli %add3A_461, %mul3A_565 : i32
        %add3A_567 = arith.addi %mul3A_2, %mul3A_566 : i32
        %add3A_568 = arith.constant 3 : i32
        %add3A_569 = arith.addi %add3A_567, %add3A_568 : i32
        %dma_start3A_570 = arith.constant 2 : i32
        %dma_start3A_571 = arith.constant 2 : i32
        %dma_start3A_572 = arith.constant 78 : i32
        %dma_start3A_573 = arith.constant 0 : i32
        %dma_start3A_574 = tpu.memref_slice %arg6[%dma_start3A_570, %dma_start3A_572, %dma_start3A_573] : memref<4x104x128xf32, #tpu.memory_space<vmem>> -> memref<1x26x64xf32, #tpu.memory_space<vmem>>
        %dma_start3A_575 = tpu.memref_squeeze %dma_start3A_574 : memref<1x26x64xf32, #tpu.memory_space<vmem>> -> memref<26x64xf32, #tpu.memory_space<vmem>>
        %dma_start3A_576 = arith.constant 0 : i32
        %dma_start3A_577 = arith.constant 0 : i32
        %dma_start3A_578 = tpu.memref_slice %arg4[%add3A_569, %dma_start3A_576, %dma_start3A_577] : memref<4096x32x128xf32, #tpu.memory_space<hbm>> -> memref<1x26x64xf32, #tpu.memory_space<hbm>>
        %dma_start3A_579 = tpu.memref_squeeze %dma_start3A_578 : memref<1x26x64xf32, #tpu.memory_space<hbm>> -> memref<26x64xf32, #tpu.memory_space<hbm>>
        %dma_start3A_580 = tpu.memref_slice %arg8[%dma_start3A_571] : memref<4x!tpu.dma_semaphore, #tpu.memory_space<semaphore_mem>> -> memref<1x!tpu.dma_semaphore, #tpu.memory_space<semaphore_mem>>
        %dma_start3A_581 = tpu.memref_squeeze %dma_start3A_580 : memref<1x!tpu.dma_semaphore, #tpu.memory_space<semaphore_mem>> -> memref<!tpu.dma_semaphore, #tpu.memory_space<semaphore_mem>>
        %dma_start3A_582 = arith.constant 0 : i32
        %dma_start3A_583 = arith.constant 0 : i32
        %dma_start3A_584 = tpu.memref_slice %arg4[%add3A_569, %dma_start3A_582, %dma_start3A_583] : memref<4096x32x128xf32, #tpu.memory_space<hbm>> -> memref<1x26x64xf32, #tpu.memory_space<hbm>>
        %dma_start3A_585 = tpu.memref_squeeze %dma_start3A_584 : memref<1x26x64xf32, #tpu.memory_space<hbm>> -> memref<26x64xf32, #tpu.memory_space<hbm>>
        %dma_start3A_586 = arith.constant 78 : i32
        %dma_start3A_587 = arith.constant 0 : i32
        %dma_start3A_588 = tpu.memref_slice %arg6[%dma_start3A_570, %dma_start3A_586, %dma_start3A_587] : memref<4x104x128xf32, #tpu.memory_space<vmem>> -> memref<1x26x64xf32, #tpu.memory_space<vmem>>
        %dma_start3A_589 = tpu.memref_squeeze %dma_start3A_588 : memref<1x26x64xf32, #tpu.memory_space<vmem>> -> memref<26x64xf32, #tpu.memory_space<vmem>>
        tpu.enqueue_dma source(%dma_start3A_589 : memref<26x64xf32, #tpu.memory_space<vmem>>) target(%dma_start3A_585 : memref<26x64xf32, #tpu.memory_space<hbm>>) target_semaphore(%dma_start3A_581 : memref<!tpu.dma_semaphore, #tpu.memory_space<semaphore_mem>>)
        %add3A_590 = arith.constant 4 : i32
        %add3A_591 = arith.addi %add3A_461, %add3A_590 : i32
        %lt3A_592 = arith.constant 32 : i32
        %lt3A_593 = arith.cmpi slt, %add3A_591, %lt3A_592 : i32
        %convert_element_type3A_594 = arith.extui %lt3A_593 : i1 to i32
        %cond3A_595 = arith.constant 0 : i32
        %cond3A_596 = arith.cmpi ne, %convert_element_type3A_594, %cond3A_595 : i32
        scf.if %cond3A_596 {
          %mul3A_597 = arith.constant 4 : i32
          %mul3A_598 = arith.muli %add3A_461, %mul3A_597 : i32
          %add3A_599 = arith.addi %mul3A_2, %mul3A_598 : i32
          %add3A_600 = arith.constant 0 : i32
          %add3A_601 = arith.addi %add3A_599, %add3A_600 : i32
          %dma_wait3A_602 = arith.constant 2 : i32
          %dma_wait3A_603 = arith.constant 2 : i32
          %dma_wait3A_604 = arith.constant 0 : i32
          %dma_wait3A_605 = arith.constant 0 : i32
          %dma_wait3A_606 = tpu.memref_slice %arg6[%dma_wait3A_602, %dma_wait3A_604, %dma_wait3A_605] : memref<4x104x128xf32, #tpu.memory_space<vmem>> -> memref<1x26x64xf32, #tpu.memory_space<vmem>>
          %dma_wait3A_607 = tpu.memref_squeeze %dma_wait3A_606 : memref<1x26x64xf32, #tpu.memory_space<vmem>> -> memref<26x64xf32, #tpu.memory_space<vmem>>
          %dma_wait3A_608 = arith.constant 0 : i32
          %dma_wait3A_609 = arith.constant 0 : i32
          %dma_wait3A_610 = tpu.memref_slice %arg4[%add3A_601, %dma_wait3A_608, %dma_wait3A_609] : memref<4096x32x128xf32, #tpu.memory_space<hbm>> -> memref<1x26x64xf32, #tpu.memory_space<hbm>>
          %dma_wait3A_611 = tpu.memref_squeeze %dma_wait3A_610 : memref<1x26x64xf32, #tpu.memory_space<hbm>> -> memref<26x64xf32, #tpu.memory_space<hbm>>
          %dma_wait3A_612 = tpu.memref_slice %arg8[%dma_wait3A_603] : memref<4x!tpu.dma_semaphore, #tpu.memory_space<semaphore_mem>> -> memref<1x!tpu.dma_semaphore, #tpu.memory_space<semaphore_mem>>
          %dma_wait3A_613 = tpu.memref_squeeze %dma_wait3A_612 : memref<1x!tpu.dma_semaphore, #tpu.memory_space<semaphore_mem>> -> memref<!tpu.dma_semaphore, #tpu.memory_space<semaphore_mem>>
          %dma_wait3A_614 = arith.constant 0 : i32
          %dma_wait3A_615 = arith.constant 0 : i32
          %dma_wait3A_616 = tpu.memref_slice %arg4[%add3A_601, %dma_wait3A_614, %dma_wait3A_615] : memref<4096x32x128xf32, #tpu.memory_space<hbm>> -> memref<1x26x64xf32, #tpu.memory_space<hbm>>
          %dma_wait3A_617 = tpu.memref_squeeze %dma_wait3A_616 : memref<1x26x64xf32, #tpu.memory_space<hbm>> -> memref<26x64xf32, #tpu.memory_space<hbm>>
          %dma_wait3A_618 = arith.constant 0 : i32
          %dma_wait3A_619 = arith.constant 0 : i32
          %dma_wait3A_620 = tpu.memref_slice %arg6[%dma_wait3A_602, %dma_wait3A_618, %dma_wait3A_619] : memref<4x104x128xf32, #tpu.memory_space<vmem>> -> memref<1x26x64xf32, #tpu.memory_space<vmem>>
          %dma_wait3A_621 = tpu.memref_squeeze %dma_wait3A_620 : memref<1x26x64xf32, #tpu.memory_space<vmem>> -> memref<26x64xf32, #tpu.memory_space<vmem>>
          tpu.wait_dma2 semaphore(%dma_wait3A_613 : memref<!tpu.dma_semaphore, #tpu.memory_space<semaphore_mem>>) src(%dma_wait3A_621 : memref<26x64xf32, #tpu.memory_space<vmem>>) dst(%dma_wait3A_617 : memref<26x64xf32, #tpu.memory_space<hbm>>)
          %mul3A_622 = arith.constant 4 : i32
          %mul3A_623 = arith.muli %add3A_461, %mul3A_622 : i32
          %add3A_624 = arith.addi %mul3A_2, %mul3A_623 : i32
          %add3A_625 = arith.constant 1 : i32
          %add3A_626 = arith.addi %add3A_624, %add3A_625 : i32
          %dma_wait3A_627 = arith.constant 2 : i32
          %dma_wait3A_628 = arith.constant 2 : i32
          %dma_wait3A_629 = arith.constant 26 : i32
          %dma_wait3A_630 = arith.constant 0 : i32
          %dma_wait3A_631 = tpu.memref_slice %arg6[%dma_wait3A_627, %dma_wait3A_629, %dma_wait3A_630] : memref<4x104x128xf32, #tpu.memory_space<vmem>> -> memref<1x26x64xf32, #tpu.memory_space<vmem>>
          %dma_wait3A_632 = tpu.memref_squeeze %dma_wait3A_631 : memref<1x26x64xf32, #tpu.memory_space<vmem>> -> memref<26x64xf32, #tpu.memory_space<vmem>>
          %dma_wait3A_633 = arith.constant 0 : i32
          %dma_wait3A_634 = arith.constant 0 : i32
          %dma_wait3A_635 = tpu.memref_slice %arg4[%add3A_626, %dma_wait3A_633, %dma_wait3A_634] : memref<4096x32x128xf32, #tpu.memory_space<hbm>> -> memref<1x26x64xf32, #tpu.memory_space<hbm>>
          %dma_wait3A_636 = tpu.memref_squeeze %dma_wait3A_635 : memref<1x26x64xf32, #tpu.memory_space<hbm>> -> memref<26x64xf32, #tpu.memory_space<hbm>>
          %dma_wait3A_637 = tpu.memref_slice %arg8[%dma_wait3A_628] : memref<4x!tpu.dma_semaphore, #tpu.memory_space<semaphore_mem>> -> memref<1x!tpu.dma_semaphore, #tpu.memory_space<semaphore_mem>>
          %dma_wait3A_638 = tpu.memref_squeeze %dma_wait3A_637 : memref<1x!tpu.dma_semaphore, #tpu.memory_space<semaphore_mem>> -> memref<!tpu.dma_semaphore, #tpu.memory_space<semaphore_mem>>
          %dma_wait3A_639 = arith.constant 0 : i32
          %dma_wait3A_640 = arith.constant 0 : i32
          %dma_wait3A_641 = tpu.memref_slice %arg4[%add3A_626, %dma_wait3A_639, %dma_wait3A_640] : memref<4096x32x128xf32, #tpu.memory_space<hbm>> -> memref<1x26x64xf32, #tpu.memory_space<hbm>>
          %dma_wait3A_642 = tpu.memref_squeeze %dma_wait3A_641 : memref<1x26x64xf32, #tpu.memory_space<hbm>> -> memref<26x64xf32, #tpu.memory_space<hbm>>
          %dma_wait3A_643 = arith.constant 26 : i32
          %dma_wait3A_644 = arith.constant 0 : i32
          %dma_wait3A_645 = tpu.memref_slice %arg6[%dma_wait3A_627, %dma_wait3A_643, %dma_wait3A_644] : memref<4x104x128xf32, #tpu.memory_space<vmem>> -> memref<1x26x64xf32, #tpu.memory_space<vmem>>
          %dma_wait3A_646 = tpu.memref_squeeze %dma_wait3A_645 : memref<1x26x64xf32, #tpu.memory_space<vmem>> -> memref<26x64xf32, #tpu.memory_space<vmem>>
          tpu.wait_dma2 semaphore(%dma_wait3A_638 : memref<!tpu.dma_semaphore, #tpu.memory_space<semaphore_mem>>) src(%dma_wait3A_646 : memref<26x64xf32, #tpu.memory_space<vmem>>) dst(%dma_wait3A_642 : memref<26x64xf32, #tpu.memory_space<hbm>>)
          %mul3A_647 = arith.constant 4 : i32
          %mul3A_648 = arith.muli %add3A_461, %mul3A_647 : i32
          %add3A_649 = arith.addi %mul3A_2, %mul3A_648 : i32
          %add3A_650 = arith.constant 2 : i32
          %add3A_651 = arith.addi %add3A_649, %add3A_650 : i32
          %dma_wait3A_652 = arith.constant 2 : i32
          %dma_wait3A_653 = arith.constant 2 : i32
          %dma_wait3A_654 = arith.constant 52 : i32
          %dma_wait3A_655 = arith.constant 0 : i32
          %dma_wait3A_656 = tpu.memref_slice %arg6[%dma_wait3A_652, %dma_wait3A_654, %dma_wait3A_655] : memref<4x104x128xf32, #tpu.memory_space<vmem>> -> memref<1x26x64xf32, #tpu.memory_space<vmem>>
          %dma_wait3A_657 = tpu.memref_squeeze %dma_wait3A_656 : memref<1x26x64xf32, #tpu.memory_space<vmem>> -> memref<26x64xf32, #tpu.memory_space<vmem>>
          %dma_wait3A_658 = arith.constant 0 : i32
          %dma_wait3A_659 = arith.constant 0 : i32
          %dma_wait3A_660 = tpu.memref_slice %arg4[%add3A_651, %dma_wait3A_658, %dma_wait3A_659] : memref<4096x32x128xf32, #tpu.memory_space<hbm>> -> memref<1x26x64xf32, #tpu.memory_space<hbm>>
          %dma_wait3A_661 = tpu.memref_squeeze %dma_wait3A_660 : memref<1x26x64xf32, #tpu.memory_space<hbm>> -> memref<26x64xf32, #tpu.memory_space<hbm>>
          %dma_wait3A_662 = tpu.memref_slice %arg8[%dma_wait3A_653] : memref<4x!tpu.dma_semaphore, #tpu.memory_space<semaphore_mem>> -> memref<1x!tpu.dma_semaphore, #tpu.memory_space<semaphore_mem>>
          %dma_wait3A_663 = tpu.memref_squeeze %dma_wait3A_662 : memref<1x!tpu.dma_semaphore, #tpu.memory_space<semaphore_mem>> -> memref<!tpu.dma_semaphore, #tpu.memory_space<semaphore_mem>>
          %dma_wait3A_664 = arith.constant 0 : i32
          %dma_wait3A_665 = arith.constant 0 : i32
          %dma_wait3A_666 = tpu.memref_slice %arg4[%add3A_651, %dma_wait3A_664, %dma_wait3A_665] : memref<4096x32x128xf32, #tpu.memory_space<hbm>> -> memref<1x26x64xf32, #tpu.memory_space<hbm>>
          %dma_wait3A_667 = tpu.memref_squeeze %dma_wait3A_666 : memref<1x26x64xf32, #tpu.memory_space<hbm>> -> memref<26x64xf32, #tpu.memory_space<hbm>>
          %dma_wait3A_668 = arith.constant 52 : i32
          %dma_wait3A_669 = arith.constant 0 : i32
          %dma_wait3A_670 = tpu.memref_slice %arg6[%dma_wait3A_652, %dma_wait3A_668, %dma_wait3A_669] : memref<4x104x128xf32, #tpu.memory_space<vmem>> -> memref<1x26x64xf32, #tpu.memory_space<vmem>>
          %dma_wait3A_671 = tpu.memref_squeeze %dma_wait3A_670 : memref<1x26x64xf32, #tpu.memory_space<vmem>> -> memref<26x64xf32, #tpu.memory_space<vmem>>
          tpu.wait_dma2 semaphore(%dma_wait3A_663 : memref<!tpu.dma_semaphore, #tpu.memory_space<semaphore_mem>>) src(%dma_wait3A_671 : memref<26x64xf32, #tpu.memory_space<vmem>>) dst(%dma_wait3A_667 : memref<26x64xf32, #tpu.memory_space<hbm>>)
          %mul3A_672 = arith.constant 4 : i32
          %mul3A_673 = arith.muli %add3A_461, %mul3A_672 : i32
          %add3A_674 = arith.addi %mul3A_2, %mul3A_673 : i32
          %add3A_675 = arith.constant 3 : i32
          %add3A_676 = arith.addi %add3A_674, %add3A_675 : i32
          %dma_wait3A_677 = arith.constant 2 : i32
          %dma_wait3A_678 = arith.constant 2 : i32
          %dma_wait3A_679 = arith.constant 78 : i32
          %dma_wait3A_680 = arith.constant 0 : i32
          %dma_wait3A_681 = tpu.memref_slice %arg6[%dma_wait3A_677, %dma_wait3A_679, %dma_wait3A_680] : memref<4x104x128xf32, #tpu.memory_space<vmem>> -> memref<1x26x64xf32, #tpu.memory_space<vmem>>
          %dma_wait3A_682 = tpu.memref_squeeze %dma_wait3A_681 : memref<1x26x64xf32, #tpu.memory_space<vmem>> -> memref<26x64xf32, #tpu.memory_space<vmem>>
          %dma_wait3A_683 = arith.constant 0 : i32
          %dma_wait3A_684 = arith.constant 0 : i32
          %dma_wait3A_685 = tpu.memref_slice %arg4[%add3A_676, %dma_wait3A_683, %dma_wait3A_684] : memref<4096x32x128xf32, #tpu.memory_space<hbm>> -> memref<1x26x64xf32, #tpu.memory_space<hbm>>
          %dma_wait3A_686 = tpu.memref_squeeze %dma_wait3A_685 : memref<1x26x64xf32, #tpu.memory_space<hbm>> -> memref<26x64xf32, #tpu.memory_space<hbm>>
          %dma_wait3A_687 = tpu.memref_slice %arg8[%dma_wait3A_678] : memref<4x!tpu.dma_semaphore, #tpu.memory_space<semaphore_mem>> -> memref<1x!tpu.dma_semaphore, #tpu.memory_space<semaphore_mem>>
          %dma_wait3A_688 = tpu.memref_squeeze %dma_wait3A_687 : memref<1x!tpu.dma_semaphore, #tpu.memory_space<semaphore_mem>> -> memref<!tpu.dma_semaphore, #tpu.memory_space<semaphore_mem>>
          %dma_wait3A_689 = arith.constant 0 : i32
          %dma_wait3A_690 = arith.constant 0 : i32
          %dma_wait3A_691 = tpu.memref_slice %arg4[%add3A_676, %dma_wait3A_689, %dma_wait3A_690] : memref<4096x32x128xf32, #tpu.memory_space<hbm>> -> memref<1x26x64xf32, #tpu.memory_space<hbm>>
          %dma_wait3A_692 = tpu.memref_squeeze %dma_wait3A_691 : memref<1x26x64xf32, #tpu.memory_space<hbm>> -> memref<26x64xf32, #tpu.memory_space<hbm>>
          %dma_wait3A_693 = arith.constant 78 : i32
          %dma_wait3A_694 = arith.constant 0 : i32
          %dma_wait3A_695 = tpu.memref_slice %arg6[%dma_wait3A_677, %dma_wait3A_693, %dma_wait3A_694] : memref<4x104x128xf32, #tpu.memory_space<vmem>> -> memref<1x26x64xf32, #tpu.memory_space<vmem>>
          %dma_wait3A_696 = tpu.memref_squeeze %dma_wait3A_695 : memref<1x26x64xf32, #tpu.memory_space<vmem>> -> memref<26x64xf32, #tpu.memory_space<vmem>>
          tpu.wait_dma2 semaphore(%dma_wait3A_688 : memref<!tpu.dma_semaphore, #tpu.memory_space<semaphore_mem>>) src(%dma_wait3A_696 : memref<26x64xf32, #tpu.memory_space<vmem>>) dst(%dma_wait3A_692 : memref<26x64xf32, #tpu.memory_space<hbm>>)
          %add3A_697 = arith.constant 4 : i32
          %add3A_698 = arith.addi %add3A_461, %add3A_697 : i32
          %mul3A_699 = arith.constant 104 : i32
          %mul3A_700 = arith.muli %add3A_698, %mul3A_699 : i32
          %dma_start3A_701 = arith.constant 2 : i32
          %dma_start3A_702 = arith.constant 2 : i32
          %dma_start3A_703 = arith.constant 0 : i32
          %dma_start3A_704 = arith.constant 0 : i32
          %dma_start3A_705 = tpu.memref_slice %arg6[%dma_start3A_701, %dma_start3A_703, %dma_start3A_704] : memref<4x104x128xf32, #tpu.memory_space<vmem>> -> memref<1x104x128xf32, #tpu.memory_space<vmem>>
          %dma_start3A_706 = tpu.memref_squeeze %dma_start3A_705 : memref<1x104x128xf32, #tpu.memory_space<vmem>> -> memref<104x128xf32, #tpu.memory_space<vmem>>
          %dma_start3A_707 = tpu.memref_slice %arg5[%mul3A_700] : memref<3328xi32, #tpu.memory_space<vmem>> -> memref<104xi32, #tpu.memory_space<vmem>>
          %dma_start3A_708 = arith.constant 0 : i32
          %dma_start3A_709 = arith.constant 0 : i32
          %dma_start3A_710 = tpu.memref_slice %arg3[%dma_start3A_708, %dma_start3A_709] : memref<100000x128xf32, #tpu.memory_space<hbm>> -> memref<100000x128xf32, #tpu.memory_space<hbm>>
          %dma_start3A_711 = tpu.memref_slice %arg7[%dma_start3A_702] : memref<4x!tpu.dma_semaphore, #tpu.memory_space<semaphore_mem>> -> memref<1x!tpu.dma_semaphore, #tpu.memory_space<semaphore_mem>>
          %dma_start3A_712 = tpu.memref_squeeze %dma_start3A_711 : memref<1x!tpu.dma_semaphore, #tpu.memory_space<semaphore_mem>> -> memref<!tpu.dma_semaphore, #tpu.memory_space<semaphore_mem>>
          tpu.enqueue_indirect_dma source(%dma_start3A_710 : memref<100000x128xf32, #tpu.memory_space<hbm>>) target(%dma_start3A_706 : memref<104x128xf32, #tpu.memory_space<vmem>>) offsets(%dma_start3A_707 : memref<104xi32, #tpu.memory_space<vmem>>) semaphore(%dma_start3A_712 : memref<!tpu.dma_semaphore, #tpu.memory_space<semaphore_mem>>)
        } else {
        }
      } else {
      }
      %mul3A_467 = arith.constant 4 : i32
      %mul3A_468 = arith.muli %scan3A_442, %mul3A_467 : i32
      %add3A_469 = arith.constant 3 : i32
      %add3A_470 = arith.addi %mul3A_468, %add3A_469 : i32
      %lt3A_471 = arith.constant 32 : i32
      %lt3A_472 = arith.cmpi slt, %add3A_470, %lt3A_471 : i32
      %convert_element_type3A_473 = arith.extui %lt3A_472 : i1 to i32
      %cond3A_474 = arith.constant 0 : i32
      %cond3A_475 = arith.cmpi ne, %convert_element_type3A_473, %cond3A_474 : i32
      scf.if %cond3A_475 {
        %mul3A_476 = arith.constant 104 : i32
        %mul3A_477 = arith.muli %add3A_470, %mul3A_476 : i32
        %dma_wait3A_478 = arith.constant 3 : i32
        %dma_wait3A_479 = arith.constant 3 : i32
        %dma_wait3A_480 = arith.constant 0 : i32
        %dma_wait3A_481 = arith.constant 0 : i32
        %dma_wait3A_482 = tpu.memref_slice %arg6[%dma_wait3A_478, %dma_wait3A_480, %dma_wait3A_481] : memref<4x104x128xf32, #tpu.memory_space<vmem>> -> memref<1x104x128xf32, #tpu.memory_space<vmem>>
        %dma_wait3A_483 = tpu.memref_squeeze %dma_wait3A_482 : memref<1x104x128xf32, #tpu.memory_space<vmem>> -> memref<104x128xf32, #tpu.memory_space<vmem>>
        %dma_wait3A_484 = tpu.memref_slice %arg5[%mul3A_477] : memref<3328xi32, #tpu.memory_space<vmem>> -> memref<104xi32, #tpu.memory_space<vmem>>
        %dma_wait3A_485 = arith.constant 0 : i32
        %dma_wait3A_486 = arith.constant 0 : i32
        %dma_wait3A_487 = tpu.memref_slice %arg3[%dma_wait3A_485, %dma_wait3A_486] : memref<100000x128xf32, #tpu.memory_space<hbm>> -> memref<100000x128xf32, #tpu.memory_space<hbm>>
        %dma_wait3A_488 = tpu.memref_slice %arg7[%dma_wait3A_479] : memref<4x!tpu.dma_semaphore, #tpu.memory_space<semaphore_mem>> -> memref<1x!tpu.dma_semaphore, #tpu.memory_space<semaphore_mem>>
        %dma_wait3A_489 = tpu.memref_squeeze %dma_wait3A_488 : memref<1x!tpu.dma_semaphore, #tpu.memory_space<semaphore_mem>> -> memref<!tpu.dma_semaphore, #tpu.memory_space<semaphore_mem>>
        tpu.wait_indirect_dma semaphore(%dma_wait3A_489 : memref<!tpu.dma_semaphore, #tpu.memory_space<semaphore_mem>>) src(%dma_wait3A_487 : memref<100000x128xf32, #tpu.memory_space<hbm>>) dst(%dma_wait3A_483 : memref<104x128xf32, #tpu.memory_space<vmem>>)
        %mul3A_490 = arith.constant 4 : i32
        %mul3A_491 = arith.muli %add3A_470, %mul3A_490 : i32
        %add3A_492 = arith.addi %mul3A_2, %mul3A_491 : i32
        %add3A_493 = arith.constant 0 : i32
        %add3A_494 = arith.addi %add3A_492, %add3A_493 : i32
        %dma_start3A_495 = arith.constant 3 : i32
        %dma_start3A_496 = arith.constant 3 : i32
        %dma_start3A_497 = arith.constant 0 : i32
        %dma_start3A_498 = arith.constant 0 : i32
        %dma_start3A_499 = tpu.memref_slice %arg6[%dma_start3A_495, %dma_start3A_497, %dma_start3A_498] : memref<4x104x128xf32, #tpu.memory_space<vmem>> -> memref<1x26x64xf32, #tpu.memory_space<vmem>>
        %dma_start3A_500 = tpu.memref_squeeze %dma_start3A_499 : memref<1x26x64xf32, #tpu.memory_space<vmem>> -> memref<26x64xf32, #tpu.memory_space<vmem>>
        %dma_start3A_501 = arith.constant 0 : i32
        %dma_start3A_502 = arith.constant 0 : i32
        %dma_start3A_503 = tpu.memref_slice %arg4[%add3A_494, %dma_start3A_501, %dma_start3A_502] : memref<4096x32x128xf32, #tpu.memory_space<hbm>> -> memref<1x26x64xf32, #tpu.memory_space<hbm>>
        %dma_start3A_504 = tpu.memref_squeeze %dma_start3A_503 : memref<1x26x64xf32, #tpu.memory_space<hbm>> -> memref<26x64xf32, #tpu.memory_space<hbm>>
        %dma_start3A_505 = tpu.memref_slice %arg8[%dma_start3A_496] : memref<4x!tpu.dma_semaphore, #tpu.memory_space<semaphore_mem>> -> memref<1x!tpu.dma_semaphore, #tpu.memory_space<semaphore_mem>>
        %dma_start3A_506 = tpu.memref_squeeze %dma_start3A_505 : memref<1x!tpu.dma_semaphore, #tpu.memory_space<semaphore_mem>> -> memref<!tpu.dma_semaphore, #tpu.memory_space<semaphore_mem>>
        %dma_start3A_507 = arith.constant 0 : i32
        %dma_start3A_508 = arith.constant 0 : i32
        %dma_start3A_509 = tpu.memref_slice %arg4[%add3A_494, %dma_start3A_507, %dma_start3A_508] : memref<4096x32x128xf32, #tpu.memory_space<hbm>> -> memref<1x26x64xf32, #tpu.memory_space<hbm>>
        %dma_start3A_510 = tpu.memref_squeeze %dma_start3A_509 : memref<1x26x64xf32, #tpu.memory_space<hbm>> -> memref<26x64xf32, #tpu.memory_space<hbm>>
        %dma_start3A_511 = arith.constant 0 : i32
        %dma_start3A_512 = arith.constant 0 : i32
        %dma_start3A_513 = tpu.memref_slice %arg6[%dma_start3A_495, %dma_start3A_511, %dma_start3A_512] : memref<4x104x128xf32, #tpu.memory_space<vmem>> -> memref<1x26x64xf32, #tpu.memory_space<vmem>>
        %dma_start3A_514 = tpu.memref_squeeze %dma_start3A_513 : memref<1x26x64xf32, #tpu.memory_space<vmem>> -> memref<26x64xf32, #tpu.memory_space<vmem>>
        tpu.enqueue_dma source(%dma_start3A_514 : memref<26x64xf32, #tpu.memory_space<vmem>>) target(%dma_start3A_510 : memref<26x64xf32, #tpu.memory_space<hbm>>) target_semaphore(%dma_start3A_506 : memref<!tpu.dma_semaphore, #tpu.memory_space<semaphore_mem>>)
        %mul3A_515 = arith.constant 4 : i32
        %mul3A_516 = arith.muli %add3A_470, %mul3A_515 : i32
        %add3A_517 = arith.addi %mul3A_2, %mul3A_516 : i32
        %add3A_518 = arith.constant 1 : i32
        %add3A_519 = arith.addi %add3A_517, %add3A_518 : i32
        %dma_start3A_520 = arith.constant 3 : i32
        %dma_start3A_521 = arith.constant 3 : i32
        %dma_start3A_522 = arith.constant 26 : i32
        %dma_start3A_523 = arith.constant 0 : i32
        %dma_start3A_524 = tpu.memref_slice %arg6[%dma_start3A_520, %dma_start3A_522, %dma_start3A_523] : memref<4x104x128xf32, #tpu.memory_space<vmem>> -> memref<1x26x64xf32, #tpu.memory_space<vmem>>
        %dma_start3A_525 = tpu.memref_squeeze %dma_start3A_524 : memref<1x26x64xf32, #tpu.memory_space<vmem>> -> memref<26x64xf32, #tpu.memory_space<vmem>>
        %dma_start3A_526 = arith.constant 0 : i32
        %dma_start3A_527 = arith.constant 0 : i32
        %dma_start3A_528 = tpu.memref_slice %arg4[%add3A_519, %dma_start3A_526, %dma_start3A_527] : memref<4096x32x128xf32, #tpu.memory_space<hbm>> -> memref<1x26x64xf32, #tpu.memory_space<hbm>>
        %dma_start3A_529 = tpu.memref_squeeze %dma_start3A_528 : memref<1x26x64xf32, #tpu.memory_space<hbm>> -> memref<26x64xf32, #tpu.memory_space<hbm>>
        %dma_start3A_530 = tpu.memref_slice %arg8[%dma_start3A_521] : memref<4x!tpu.dma_semaphore, #tpu.memory_space<semaphore_mem>> -> memref<1x!tpu.dma_semaphore, #tpu.memory_space<semaphore_mem>>
        %dma_start3A_531 = tpu.memref_squeeze %dma_start3A_530 : memref<1x!tpu.dma_semaphore, #tpu.memory_space<semaphore_mem>> -> memref<!tpu.dma_semaphore, #tpu.memory_space<semaphore_mem>>
        %dma_start3A_532 = arith.constant 0 : i32
        %dma_start3A_533 = arith.constant 0 : i32
        %dma_start3A_534 = tpu.memref_slice %arg4[%add3A_519, %dma_start3A_532, %dma_start3A_533] : memref<4096x32x128xf32, #tpu.memory_space<hbm>> -> memref<1x26x64xf32, #tpu.memory_space<hbm>>
        %dma_start3A_535 = tpu.memref_squeeze %dma_start3A_534 : memref<1x26x64xf32, #tpu.memory_space<hbm>> -> memref<26x64xf32, #tpu.memory_space<hbm>>
        %dma_start3A_536 = arith.constant 26 : i32
        %dma_start3A_537 = arith.constant 0 : i32
        %dma_start3A_538 = tpu.memref_slice %arg6[%dma_start3A_520, %dma_start3A_536, %dma_start3A_537] : memref<4x104x128xf32, #tpu.memory_space<vmem>> -> memref<1x26x64xf32, #tpu.memory_space<vmem>>
        %dma_start3A_539 = tpu.memref_squeeze %dma_start3A_538 : memref<1x26x64xf32, #tpu.memory_space<vmem>> -> memref<26x64xf32, #tpu.memory_space<vmem>>
        tpu.enqueue_dma source(%dma_start3A_539 : memref<26x64xf32, #tpu.memory_space<vmem>>) target(%dma_start3A_535 : memref<26x64xf32, #tpu.memory_space<hbm>>) target_semaphore(%dma_start3A_531 : memref<!tpu.dma_semaphore, #tpu.memory_space<semaphore_mem>>)
        %mul3A_540 = arith.constant 4 : i32
        %mul3A_541 = arith.muli %add3A_470, %mul3A_540 : i32
        %add3A_542 = arith.addi %mul3A_2, %mul3A_541 : i32
        %add3A_543 = arith.constant 2 : i32
        %add3A_544 = arith.addi %add3A_542, %add3A_543 : i32
        %dma_start3A_545 = arith.constant 3 : i32
        %dma_start3A_546 = arith.constant 3 : i32
        %dma_start3A_547 = arith.constant 52 : i32
        %dma_start3A_548 = arith.constant 0 : i32
        %dma_start3A_549 = tpu.memref_slice %arg6[%dma_start3A_545, %dma_start3A_547, %dma_start3A_548] : memref<4x104x128xf32, #tpu.memory_space<vmem>> -> memref<1x26x64xf32, #tpu.memory_space<vmem>>
        %dma_start3A_550 = tpu.memref_squeeze %dma_start3A_549 : memref<1x26x64xf32, #tpu.memory_space<vmem>> -> memref<26x64xf32, #tpu.memory_space<vmem>>
        %dma_start3A_551 = arith.constant 0 : i32
        %dma_start3A_552 = arith.constant 0 : i32
        %dma_start3A_553 = tpu.memref_slice %arg4[%add3A_544, %dma_start3A_551, %dma_start3A_552] : memref<4096x32x128xf32, #tpu.memory_space<hbm>> -> memref<1x26x64xf32, #tpu.memory_space<hbm>>
        %dma_start3A_554 = tpu.memref_squeeze %dma_start3A_553 : memref<1x26x64xf32, #tpu.memory_space<hbm>> -> memref<26x64xf32, #tpu.memory_space<hbm>>
        %dma_start3A_555 = tpu.memref_slice %arg8[%dma_start3A_546] : memref<4x!tpu.dma_semaphore, #tpu.memory_space<semaphore_mem>> -> memref<1x!tpu.dma_semaphore, #tpu.memory_space<semaphore_mem>>
        %dma_start3A_556 = tpu.memref_squeeze %dma_start3A_555 : memref<1x!tpu.dma_semaphore, #tpu.memory_space<semaphore_mem>> -> memref<!tpu.dma_semaphore, #tpu.memory_space<semaphore_mem>>
        %dma_start3A_557 = arith.constant 0 : i32
        %dma_start3A_558 = arith.constant 0 : i32
        %dma_start3A_559 = tpu.memref_slice %arg4[%add3A_544, %dma_start3A_557, %dma_start3A_558] : memref<4096x32x128xf32, #tpu.memory_space<hbm>> -> memref<1x26x64xf32, #tpu.memory_space<hbm>>
        %dma_start3A_560 = tpu.memref_squeeze %dma_start3A_559 : memref<1x26x64xf32, #tpu.memory_space<hbm>> -> memref<26x64xf32, #tpu.memory_space<hbm>>
        %dma_start3A_561 = arith.constant 52 : i32
        %dma_start3A_562 = arith.constant 0 : i32
        %dma_start3A_563 = tpu.memref_slice %arg6[%dma_start3A_545, %dma_start3A_561, %dma_start3A_562] : memref<4x104x128xf32, #tpu.memory_space<vmem>> -> memref<1x26x64xf32, #tpu.memory_space<vmem>>
        %dma_start3A_564 = tpu.memref_squeeze %dma_start3A_563 : memref<1x26x64xf32, #tpu.memory_space<vmem>> -> memref<26x64xf32, #tpu.memory_space<vmem>>
        tpu.enqueue_dma source(%dma_start3A_564 : memref<26x64xf32, #tpu.memory_space<vmem>>) target(%dma_start3A_560 : memref<26x64xf32, #tpu.memory_space<hbm>>) target_semaphore(%dma_start3A_556 : memref<!tpu.dma_semaphore, #tpu.memory_space<semaphore_mem>>)
        %mul3A_565 = arith.constant 4 : i32
        %mul3A_566 = arith.muli %add3A_470, %mul3A_565 : i32
        %add3A_567 = arith.addi %mul3A_2, %mul3A_566 : i32
        %add3A_568 = arith.constant 3 : i32
        %add3A_569 = arith.addi %add3A_567, %add3A_568 : i32
        %dma_start3A_570 = arith.constant 3 : i32
        %dma_start3A_571 = arith.constant 3 : i32
        %dma_start3A_572 = arith.constant 78 : i32
        %dma_start3A_573 = arith.constant 0 : i32
        %dma_start3A_574 = tpu.memref_slice %arg6[%dma_start3A_570, %dma_start3A_572, %dma_start3A_573] : memref<4x104x128xf32, #tpu.memory_space<vmem>> -> memref<1x26x64xf32, #tpu.memory_space<vmem>>
        %dma_start3A_575 = tpu.memref_squeeze %dma_start3A_574 : memref<1x26x64xf32, #tpu.memory_space<vmem>> -> memref<26x64xf32, #tpu.memory_space<vmem>>
        %dma_start3A_576 = arith.constant 0 : i32
        %dma_start3A_577 = arith.constant 0 : i32
        %dma_start3A_578 = tpu.memref_slice %arg4[%add3A_569, %dma_start3A_576, %dma_start3A_577] : memref<4096x32x128xf32, #tpu.memory_space<hbm>> -> memref<1x26x64xf32, #tpu.memory_space<hbm>>
        %dma_start3A_579 = tpu.memref_squeeze %dma_start3A_578 : memref<1x26x64xf32, #tpu.memory_space<hbm>> -> memref<26x64xf32, #tpu.memory_space<hbm>>
        %dma_start3A_580 = tpu.memref_slice %arg8[%dma_start3A_571] : memref<4x!tpu.dma_semaphore, #tpu.memory_space<semaphore_mem>> -> memref<1x!tpu.dma_semaphore, #tpu.memory_space<semaphore_mem>>
        %dma_start3A_581 = tpu.memref_squeeze %dma_start3A_580 : memref<1x!tpu.dma_semaphore, #tpu.memory_space<semaphore_mem>> -> memref<!tpu.dma_semaphore, #tpu.memory_space<semaphore_mem>>
        %dma_start3A_582 = arith.constant 0 : i32
        %dma_start3A_583 = arith.constant 0 : i32
        %dma_start3A_584 = tpu.memref_slice %arg4[%add3A_569, %dma_start3A_582, %dma_start3A_583] : memref<4096x32x128xf32, #tpu.memory_space<hbm>> -> memref<1x26x64xf32, #tpu.memory_space<hbm>>
        %dma_start3A_585 = tpu.memref_squeeze %dma_start3A_584 : memref<1x26x64xf32, #tpu.memory_space<hbm>> -> memref<26x64xf32, #tpu.memory_space<hbm>>
        %dma_start3A_586 = arith.constant 78 : i32
        %dma_start3A_587 = arith.constant 0 : i32
        %dma_start3A_588 = tpu.memref_slice %arg6[%dma_start3A_570, %dma_start3A_586, %dma_start3A_587] : memref<4x104x128xf32, #tpu.memory_space<vmem>> -> memref<1x26x64xf32, #tpu.memory_space<vmem>>
        %dma_start3A_589 = tpu.memref_squeeze %dma_start3A_588 : memref<1x26x64xf32, #tpu.memory_space<vmem>> -> memref<26x64xf32, #tpu.memory_space<vmem>>
        tpu.enqueue_dma source(%dma_start3A_589 : memref<26x64xf32, #tpu.memory_space<vmem>>) target(%dma_start3A_585 : memref<26x64xf32, #tpu.memory_space<hbm>>) target_semaphore(%dma_start3A_581 : memref<!tpu.dma_semaphore, #tpu.memory_space<semaphore_mem>>)
        %add3A_590 = arith.constant 4 : i32
        %add3A_591 = arith.addi %add3A_470, %add3A_590 : i32
        %lt3A_592 = arith.constant 32 : i32
        %lt3A_593 = arith.cmpi slt, %add3A_591, %lt3A_592 : i32
        %convert_element_type3A_594 = arith.extui %lt3A_593 : i1 to i32
        %cond3A_595 = arith.constant 0 : i32
        %cond3A_596 = arith.cmpi ne, %convert_element_type3A_594, %cond3A_595 : i32
        scf.if %cond3A_596 {
          %mul3A_597 = arith.constant 4 : i32
          %mul3A_598 = arith.muli %add3A_470, %mul3A_597 : i32
          %add3A_599 = arith.addi %mul3A_2, %mul3A_598 : i32
          %add3A_600 = arith.constant 0 : i32
          %add3A_601 = arith.addi %add3A_599, %add3A_600 : i32
          %dma_wait3A_602 = arith.constant 3 : i32
          %dma_wait3A_603 = arith.constant 3 : i32
          %dma_wait3A_604 = arith.constant 0 : i32
          %dma_wait3A_605 = arith.constant 0 : i32
          %dma_wait3A_606 = tpu.memref_slice %arg6[%dma_wait3A_602, %dma_wait3A_604, %dma_wait3A_605] : memref<4x104x128xf32, #tpu.memory_space<vmem>> -> memref<1x26x64xf32, #tpu.memory_space<vmem>>
          %dma_wait3A_607 = tpu.memref_squeeze %dma_wait3A_606 : memref<1x26x64xf32, #tpu.memory_space<vmem>> -> memref<26x64xf32, #tpu.memory_space<vmem>>
          %dma_wait3A_608 = arith.constant 0 : i32
          %dma_wait3A_609 = arith.constant 0 : i32
          %dma_wait3A_610 = tpu.memref_slice %arg4[%add3A_601, %dma_wait3A_608, %dma_wait3A_609] : memref<4096x32x128xf32, #tpu.memory_space<hbm>> -> memref<1x26x64xf32, #tpu.memory_space<hbm>>
          %dma_wait3A_611 = tpu.memref_squeeze %dma_wait3A_610 : memref<1x26x64xf32, #tpu.memory_space<hbm>> -> memref<26x64xf32, #tpu.memory_space<hbm>>
          %dma_wait3A_612 = tpu.memref_slice %arg8[%dma_wait3A_603] : memref<4x!tpu.dma_semaphore, #tpu.memory_space<semaphore_mem>> -> memref<1x!tpu.dma_semaphore, #tpu.memory_space<semaphore_mem>>
          %dma_wait3A_613 = tpu.memref_squeeze %dma_wait3A_612 : memref<1x!tpu.dma_semaphore, #tpu.memory_space<semaphore_mem>> -> memref<!tpu.dma_semaphore, #tpu.memory_space<semaphore_mem>>
          %dma_wait3A_614 = arith.constant 0 : i32
          %dma_wait3A_615 = arith.constant 0 : i32
          %dma_wait3A_616 = tpu.memref_slice %arg4[%add3A_601, %dma_wait3A_614, %dma_wait3A_615] : memref<4096x32x128xf32, #tpu.memory_space<hbm>> -> memref<1x26x64xf32, #tpu.memory_space<hbm>>
          %dma_wait3A_617 = tpu.memref_squeeze %dma_wait3A_616 : memref<1x26x64xf32, #tpu.memory_space<hbm>> -> memref<26x64xf32, #tpu.memory_space<hbm>>
          %dma_wait3A_618 = arith.constant 0 : i32
          %dma_wait3A_619 = arith.constant 0 : i32
          %dma_wait3A_620 = tpu.memref_slice %arg6[%dma_wait3A_602, %dma_wait3A_618, %dma_wait3A_619] : memref<4x104x128xf32, #tpu.memory_space<vmem>> -> memref<1x26x64xf32, #tpu.memory_space<vmem>>
          %dma_wait3A_621 = tpu.memref_squeeze %dma_wait3A_620 : memref<1x26x64xf32, #tpu.memory_space<vmem>> -> memref<26x64xf32, #tpu.memory_space<vmem>>
          tpu.wait_dma2 semaphore(%dma_wait3A_613 : memref<!tpu.dma_semaphore, #tpu.memory_space<semaphore_mem>>) src(%dma_wait3A_621 : memref<26x64xf32, #tpu.memory_space<vmem>>) dst(%dma_wait3A_617 : memref<26x64xf32, #tpu.memory_space<hbm>>)
          %mul3A_622 = arith.constant 4 : i32
          %mul3A_623 = arith.muli %add3A_470, %mul3A_622 : i32
          %add3A_624 = arith.addi %mul3A_2, %mul3A_623 : i32
          %add3A_625 = arith.constant 1 : i32
          %add3A_626 = arith.addi %add3A_624, %add3A_625 : i32
          %dma_wait3A_627 = arith.constant 3 : i32
          %dma_wait3A_628 = arith.constant 3 : i32
          %dma_wait3A_629 = arith.constant 26 : i32
          %dma_wait3A_630 = arith.constant 0 : i32
          %dma_wait3A_631 = tpu.memref_slice %arg6[%dma_wait3A_627, %dma_wait3A_629, %dma_wait3A_630] : memref<4x104x128xf32, #tpu.memory_space<vmem>> -> memref<1x26x64xf32, #tpu.memory_space<vmem>>
          %dma_wait3A_632 = tpu.memref_squeeze %dma_wait3A_631 : memref<1x26x64xf32, #tpu.memory_space<vmem>> -> memref<26x64xf32, #tpu.memory_space<vmem>>
          %dma_wait3A_633 = arith.constant 0 : i32
          %dma_wait3A_634 = arith.constant 0 : i32
          %dma_wait3A_635 = tpu.memref_slice %arg4[%add3A_626, %dma_wait3A_633, %dma_wait3A_634] : memref<4096x32x128xf32, #tpu.memory_space<hbm>> -> memref<1x26x64xf32, #tpu.memory_space<hbm>>
          %dma_wait3A_636 = tpu.memref_squeeze %dma_wait3A_635 : memref<1x26x64xf32, #tpu.memory_space<hbm>> -> memref<26x64xf32, #tpu.memory_space<hbm>>
          %dma_wait3A_637 = tpu.memref_slice %arg8[%dma_wait3A_628] : memref<4x!tpu.dma_semaphore, #tpu.memory_space<semaphore_mem>> -> memref<1x!tpu.dma_semaphore, #tpu.memory_space<semaphore_mem>>
          %dma_wait3A_638 = tpu.memref_squeeze %dma_wait3A_637 : memref<1x!tpu.dma_semaphore, #tpu.memory_space<semaphore_mem>> -> memref<!tpu.dma_semaphore, #tpu.memory_space<semaphore_mem>>
          %dma_wait3A_639 = arith.constant 0 : i32
          %dma_wait3A_640 = arith.constant 0 : i32
          %dma_wait3A_641 = tpu.memref_slice %arg4[%add3A_626, %dma_wait3A_639, %dma_wait3A_640] : memref<4096x32x128xf32, #tpu.memory_space<hbm>> -> memref<1x26x64xf32, #tpu.memory_space<hbm>>
          %dma_wait3A_642 = tpu.memref_squeeze %dma_wait3A_641 : memref<1x26x64xf32, #tpu.memory_space<hbm>> -> memref<26x64xf32, #tpu.memory_space<hbm>>
          %dma_wait3A_643 = arith.constant 26 : i32
          %dma_wait3A_644 = arith.constant 0 : i32
          %dma_wait3A_645 = tpu.memref_slice %arg6[%dma_wait3A_627, %dma_wait3A_643, %dma_wait3A_644] : memref<4x104x128xf32, #tpu.memory_space<vmem>> -> memref<1x26x64xf32, #tpu.memory_space<vmem>>
          %dma_wait3A_646 = tpu.memref_squeeze %dma_wait3A_645 : memref<1x26x64xf32, #tpu.memory_space<vmem>> -> memref<26x64xf32, #tpu.memory_space<vmem>>
          tpu.wait_dma2 semaphore(%dma_wait3A_638 : memref<!tpu.dma_semaphore, #tpu.memory_space<semaphore_mem>>) src(%dma_wait3A_646 : memref<26x64xf32, #tpu.memory_space<vmem>>) dst(%dma_wait3A_642 : memref<26x64xf32, #tpu.memory_space<hbm>>)
          %mul3A_647 = arith.constant 4 : i32
          %mul3A_648 = arith.muli %add3A_470, %mul3A_647 : i32
          %add3A_649 = arith.addi %mul3A_2, %mul3A_648 : i32
          %add3A_650 = arith.constant 2 : i32
          %add3A_651 = arith.addi %add3A_649, %add3A_650 : i32
          %dma_wait3A_652 = arith.constant 3 : i32
          %dma_wait3A_653 = arith.constant 3 : i32
          %dma_wait3A_654 = arith.constant 52 : i32
          %dma_wait3A_655 = arith.constant 0 : i32
          %dma_wait3A_656 = tpu.memref_slice %arg6[%dma_wait3A_652, %dma_wait3A_654, %dma_wait3A_655] : memref<4x104x128xf32, #tpu.memory_space<vmem>> -> memref<1x26x64xf32, #tpu.memory_space<vmem>>
          %dma_wait3A_657 = tpu.memref_squeeze %dma_wait3A_656 : memref<1x26x64xf32, #tpu.memory_space<vmem>> -> memref<26x64xf32, #tpu.memory_space<vmem>>
          %dma_wait3A_658 = arith.constant 0 : i32
          %dma_wait3A_659 = arith.constant 0 : i32
          %dma_wait3A_660 = tpu.memref_slice %arg4[%add3A_651, %dma_wait3A_658, %dma_wait3A_659] : memref<4096x32x128xf32, #tpu.memory_space<hbm>> -> memref<1x26x64xf32, #tpu.memory_space<hbm>>
          %dma_wait3A_661 = tpu.memref_squeeze %dma_wait3A_660 : memref<1x26x64xf32, #tpu.memory_space<hbm>> -> memref<26x64xf32, #tpu.memory_space<hbm>>
          %dma_wait3A_662 = tpu.memref_slice %arg8[%dma_wait3A_653] : memref<4x!tpu.dma_semaphore, #tpu.memory_space<semaphore_mem>> -> memref<1x!tpu.dma_semaphore, #tpu.memory_space<semaphore_mem>>
          %dma_wait3A_663 = tpu.memref_squeeze %dma_wait3A_662 : memref<1x!tpu.dma_semaphore, #tpu.memory_space<semaphore_mem>> -> memref<!tpu.dma_semaphore, #tpu.memory_space<semaphore_mem>>
          %dma_wait3A_664 = arith.constant 0 : i32
          %dma_wait3A_665 = arith.constant 0 : i32
          %dma_wait3A_666 = tpu.memref_slice %arg4[%add3A_651, %dma_wait3A_664, %dma_wait3A_665] : memref<4096x32x128xf32, #tpu.memory_space<hbm>> -> memref<1x26x64xf32, #tpu.memory_space<hbm>>
          %dma_wait3A_667 = tpu.memref_squeeze %dma_wait3A_666 : memref<1x26x64xf32, #tpu.memory_space<hbm>> -> memref<26x64xf32, #tpu.memory_space<hbm>>
          %dma_wait3A_668 = arith.constant 52 : i32
          %dma_wait3A_669 = arith.constant 0 : i32
          %dma_wait3A_670 = tpu.memref_slice %arg6[%dma_wait3A_652, %dma_wait3A_668, %dma_wait3A_669] : memref<4x104x128xf32, #tpu.memory_space<vmem>> -> memref<1x26x64xf32, #tpu.memory_space<vmem>>
          %dma_wait3A_671 = tpu.memref_squeeze %dma_wait3A_670 : memref<1x26x64xf32, #tpu.memory_space<vmem>> -> memref<26x64xf32, #tpu.memory_space<vmem>>
          tpu.wait_dma2 semaphore(%dma_wait3A_663 : memref<!tpu.dma_semaphore, #tpu.memory_space<semaphore_mem>>) src(%dma_wait3A_671 : memref<26x64xf32, #tpu.memory_space<vmem>>) dst(%dma_wait3A_667 : memref<26x64xf32, #tpu.memory_space<hbm>>)
          %mul3A_672 = arith.constant 4 : i32
          %mul3A_673 = arith.muli %add3A_470, %mul3A_672 : i32
          %add3A_674 = arith.addi %mul3A_2, %mul3A_673 : i32
          %add3A_675 = arith.constant 3 : i32
          %add3A_676 = arith.addi %add3A_674, %add3A_675 : i32
          %dma_wait3A_677 = arith.constant 3 : i32
          %dma_wait3A_678 = arith.constant 3 : i32
          %dma_wait3A_679 = arith.constant 78 : i32
          %dma_wait3A_680 = arith.constant 0 : i32
          %dma_wait3A_681 = tpu.memref_slice %arg6[%dma_wait3A_677, %dma_wait3A_679, %dma_wait3A_680] : memref<4x104x128xf32, #tpu.memory_space<vmem>> -> memref<1x26x64xf32, #tpu.memory_space<vmem>>
          %dma_wait3A_682 = tpu.memref_squeeze %dma_wait3A_681 : memref<1x26x64xf32, #tpu.memory_space<vmem>> -> memref<26x64xf32, #tpu.memory_space<vmem>>
          %dma_wait3A_683 = arith.constant 0 : i32
          %dma_wait3A_684 = arith.constant 0 : i32
          %dma_wait3A_685 = tpu.memref_slice %arg4[%add3A_676, %dma_wait3A_683, %dma_wait3A_684] : memref<4096x32x128xf32, #tpu.memory_space<hbm>> -> memref<1x26x64xf32, #tpu.memory_space<hbm>>
          %dma_wait3A_686 = tpu.memref_squeeze %dma_wait3A_685 : memref<1x26x64xf32, #tpu.memory_space<hbm>> -> memref<26x64xf32, #tpu.memory_space<hbm>>
          %dma_wait3A_687 = tpu.memref_slice %arg8[%dma_wait3A_678] : memref<4x!tpu.dma_semaphore, #tpu.memory_space<semaphore_mem>> -> memref<1x!tpu.dma_semaphore, #tpu.memory_space<semaphore_mem>>
          %dma_wait3A_688 = tpu.memref_squeeze %dma_wait3A_687 : memref<1x!tpu.dma_semaphore, #tpu.memory_space<semaphore_mem>> -> memref<!tpu.dma_semaphore, #tpu.memory_space<semaphore_mem>>
          %dma_wait3A_689 = arith.constant 0 : i32
          %dma_wait3A_690 = arith.constant 0 : i32
          %dma_wait3A_691 = tpu.memref_slice %arg4[%add3A_676, %dma_wait3A_689, %dma_wait3A_690] : memref<4096x32x128xf32, #tpu.memory_space<hbm>> -> memref<1x26x64xf32, #tpu.memory_space<hbm>>
          %dma_wait3A_692 = tpu.memref_squeeze %dma_wait3A_691 : memref<1x26x64xf32, #tpu.memory_space<hbm>> -> memref<26x64xf32, #tpu.memory_space<hbm>>
          %dma_wait3A_693 = arith.constant 78 : i32
          %dma_wait3A_694 = arith.constant 0 : i32
          %dma_wait3A_695 = tpu.memref_slice %arg6[%dma_wait3A_677, %dma_wait3A_693, %dma_wait3A_694] : memref<4x104x128xf32, #tpu.memory_space<vmem>> -> memref<1x26x64xf32, #tpu.memory_space<vmem>>
          %dma_wait3A_696 = tpu.memref_squeeze %dma_wait3A_695 : memref<1x26x64xf32, #tpu.memory_space<vmem>> -> memref<26x64xf32, #tpu.memory_space<vmem>>
          tpu.wait_dma2 semaphore(%dma_wait3A_688 : memref<!tpu.dma_semaphore, #tpu.memory_space<semaphore_mem>>) src(%dma_wait3A_696 : memref<26x64xf32, #tpu.memory_space<vmem>>) dst(%dma_wait3A_692 : memref<26x64xf32, #tpu.memory_space<hbm>>)
          %add3A_697 = arith.constant 4 : i32
          %add3A_698 = arith.addi %add3A_470, %add3A_697 : i32
          %mul3A_699 = arith.constant 104 : i32
          %mul3A_700 = arith.muli %add3A_698, %mul3A_699 : i32
          %dma_start3A_701 = arith.constant 3 : i32
          %dma_start3A_702 = arith.constant 3 : i32
          %dma_start3A_703 = arith.constant 0 : i32
          %dma_start3A_704 = arith.constant 0 : i32
          %dma_start3A_705 = tpu.memref_slice %arg6[%dma_start3A_701, %dma_start3A_703, %dma_start3A_704] : memref<4x104x128xf32, #tpu.memory_space<vmem>> -> memref<1x104x128xf32, #tpu.memory_space<vmem>>
          %dma_start3A_706 = tpu.memref_squeeze %dma_start3A_705 : memref<1x104x128xf32, #tpu.memory_space<vmem>> -> memref<104x128xf32, #tpu.memory_space<vmem>>
          %dma_start3A_707 = tpu.memref_slice %arg5[%mul3A_700] : memref<3328xi32, #tpu.memory_space<vmem>> -> memref<104xi32, #tpu.memory_space<vmem>>
          %dma_start3A_708 = arith.constant 0 : i32
          %dma_start3A_709 = arith.constant 0 : i32
          %dma_start3A_710 = tpu.memref_slice %arg3[%dma_start3A_708, %dma_start3A_709] : memref<100000x128xf32, #tpu.memory_space<hbm>> -> memref<100000x128xf32, #tpu.memory_space<hbm>>
          %dma_start3A_711 = tpu.memref_slice %arg7[%dma_start3A_702] : memref<4x!tpu.dma_semaphore, #tpu.memory_space<semaphore_mem>> -> memref<1x!tpu.dma_semaphore, #tpu.memory_space<semaphore_mem>>
          %dma_start3A_712 = tpu.memref_squeeze %dma_start3A_711 : memref<1x!tpu.dma_semaphore, #tpu.memory_space<semaphore_mem>> -> memref<!tpu.dma_semaphore, #tpu.memory_space<semaphore_mem>>
          tpu.enqueue_indirect_dma source(%dma_start3A_710 : memref<100000x128xf32, #tpu.memory_space<hbm>>) target(%dma_start3A_706 : memref<104x128xf32, #tpu.memory_space<vmem>>) offsets(%dma_start3A_707 : memref<104xi32, #tpu.memory_space<vmem>>) semaphore(%dma_start3A_712 : memref<!tpu.dma_semaphore, #tpu.memory_space<semaphore_mem>>)
        } else {
        }
      } else {
      }
    }
    %scan3A_58 = arith.constant 8 : i32
    %add3A_59 = arith.constant 0 : i32
    %add3A_60 = arith.addi %mul3A_2, %add3A_59 : i32
    %add3A_61 = arith.constant 0 : i32
    %add3A_62 = arith.addi %add3A_60, %add3A_61 : i32
    %dma_wait3A = arith.constant 0 : i32
    %dma_wait3A_63 = arith.constant 0 : i32
    %dma_wait3A_64 = arith.constant 0 : i32
    %dma_wait3A_65 = arith.constant 0 : i32
    %dma_wait3A_66 = tpu.memref_slice %arg6[%dma_wait3A, %dma_wait3A_64, %dma_wait3A_65] : memref<4x104x128xf32, #tpu.memory_space<vmem>> -> memref<1x26x64xf32, #tpu.memory_space<vmem>>
    %dma_wait3A_67 = tpu.memref_squeeze %dma_wait3A_66 : memref<1x26x64xf32, #tpu.memory_space<vmem>> -> memref<26x64xf32, #tpu.memory_space<vmem>>
    %dma_wait3A_68 = arith.constant 0 : i32
    %dma_wait3A_69 = arith.constant 0 : i32
    %dma_wait3A_70 = tpu.memref_slice %arg4[%add3A_62, %dma_wait3A_68, %dma_wait3A_69] : memref<4096x32x128xf32, #tpu.memory_space<hbm>> -> memref<1x26x64xf32, #tpu.memory_space<hbm>>
    %dma_wait3A_71 = tpu.memref_squeeze %dma_wait3A_70 : memref<1x26x64xf32, #tpu.memory_space<hbm>> -> memref<26x64xf32, #tpu.memory_space<hbm>>
    %dma_wait3A_72 = tpu.memref_slice %arg8[%dma_wait3A_63] : memref<4x!tpu.dma_semaphore, #tpu.memory_space<semaphore_mem>> -> memref<1x!tpu.dma_semaphore, #tpu.memory_space<semaphore_mem>>
    %dma_wait3A_73 = tpu.memref_squeeze %dma_wait3A_72 : memref<1x!tpu.dma_semaphore, #tpu.memory_space<semaphore_mem>> -> memref<!tpu.dma_semaphore, #tpu.memory_space<semaphore_mem>>
    %dma_wait3A_74 = arith.constant 0 : i32
    %dma_wait3A_75 = arith.constant 0 : i32
    %dma_wait3A_76 = tpu.memref_slice %arg4[%add3A_62, %dma_wait3A_74, %dma_wait3A_75] : memref<4096x32x128xf32, #tpu.memory_space<hbm>> -> memref<1x26x64xf32, #tpu.memory_space<hbm>>
    %dma_wait3A_77 = tpu.memref_squeeze %dma_wait3A_76 : memref<1x26x64xf32, #tpu.memory_space<hbm>> -> memref<26x64xf32, #tpu.memory_space<hbm>>
    %dma_wait3A_78 = arith.constant 0 : i32
    %dma_wait3A_79 = arith.constant 0 : i32
    %dma_wait3A_80 = tpu.memref_slice %arg6[%dma_wait3A, %dma_wait3A_78, %dma_wait3A_79] : memref<4x104x128xf32, #tpu.memory_space<vmem>> -> memref<1x26x64xf32, #tpu.memory_space<vmem>>
    %dma_wait3A_81 = tpu.memref_squeeze %dma_wait3A_80 : memref<1x26x64xf32, #tpu.memory_space<vmem>> -> memref<26x64xf32, #tpu.memory_space<vmem>>
    tpu.wait_dma2 semaphore(%dma_wait3A_73 : memref<!tpu.dma_semaphore, #tpu.memory_space<semaphore_mem>>) src(%dma_wait3A_81 : memref<26x64xf32, #tpu.memory_space<vmem>>) dst(%dma_wait3A_77 : memref<26x64xf32, #tpu.memory_space<hbm>>)
    %add3A_82 = arith.constant 0 : i32
    %add3A_83 = arith.addi %mul3A_2, %add3A_82 : i32
    %add3A_84 = arith.constant 1 : i32
    %add3A_85 = arith.addi %add3A_83, %add3A_84 : i32
    %dma_wait3A_86 = arith.constant 0 : i32
    %dma_wait3A_87 = arith.constant 0 : i32
    %dma_wait3A_88 = arith.constant 26 : i32
    %dma_wait3A_89 = arith.constant 0 : i32
    %dma_wait3A_90 = tpu.memref_slice %arg6[%dma_wait3A_86, %dma_wait3A_88, %dma_wait3A_89] : memref<4x104x128xf32, #tpu.memory_space<vmem>> -> memref<1x26x64xf32, #tpu.memory_space<vmem>>
    %dma_wait3A_91 = tpu.memref_squeeze %dma_wait3A_90 : memref<1x26x64xf32, #tpu.memory_space<vmem>> -> memref<26x64xf32, #tpu.memory_space<vmem>>
    %dma_wait3A_92 = arith.constant 0 : i32
    %dma_wait3A_93 = arith.constant 0 : i32
    %dma_wait3A_94 = tpu.memref_slice %arg4[%add3A_85, %dma_wait3A_92, %dma_wait3A_93] : memref<4096x32x128xf32, #tpu.memory_space<hbm>> -> memref<1x26x64xf32, #tpu.memory_space<hbm>>
    %dma_wait3A_95 = tpu.memref_squeeze %dma_wait3A_94 : memref<1x26x64xf32, #tpu.memory_space<hbm>> -> memref<26x64xf32, #tpu.memory_space<hbm>>
    %dma_wait3A_96 = tpu.memref_slice %arg8[%dma_wait3A_87] : memref<4x!tpu.dma_semaphore, #tpu.memory_space<semaphore_mem>> -> memref<1x!tpu.dma_semaphore, #tpu.memory_space<semaphore_mem>>
    %dma_wait3A_97 = tpu.memref_squeeze %dma_wait3A_96 : memref<1x!tpu.dma_semaphore, #tpu.memory_space<semaphore_mem>> -> memref<!tpu.dma_semaphore, #tpu.memory_space<semaphore_mem>>
    %dma_wait3A_98 = arith.constant 0 : i32
    %dma_wait3A_99 = arith.constant 0 : i32
    %dma_wait3A_100 = tpu.memref_slice %arg4[%add3A_85, %dma_wait3A_98, %dma_wait3A_99] : memref<4096x32x128xf32, #tpu.memory_space<hbm>> -> memref<1x26x64xf32, #tpu.memory_space<hbm>>
    %dma_wait3A_101 = tpu.memref_squeeze %dma_wait3A_100 : memref<1x26x64xf32, #tpu.memory_space<hbm>> -> memref<26x64xf32, #tpu.memory_space<hbm>>
    %dma_wait3A_102 = arith.constant 26 : i32
    %dma_wait3A_103 = arith.constant 0 : i32
    %dma_wait3A_104 = tpu.memref_slice %arg6[%dma_wait3A_86, %dma_wait3A_102, %dma_wait3A_103] : memref<4x104x128xf32, #tpu.memory_space<vmem>> -> memref<1x26x64xf32, #tpu.memory_space<vmem>>
    %dma_wait3A_105 = tpu.memref_squeeze %dma_wait3A_104 : memref<1x26x64xf32, #tpu.memory_space<vmem>> -> memref<26x64xf32, #tpu.memory_space<vmem>>
    tpu.wait_dma2 semaphore(%dma_wait3A_97 : memref<!tpu.dma_semaphore, #tpu.memory_space<semaphore_mem>>) src(%dma_wait3A_105 : memref<26x64xf32, #tpu.memory_space<vmem>>) dst(%dma_wait3A_101 : memref<26x64xf32, #tpu.memory_space<hbm>>)
    %add3A_106 = arith.constant 0 : i32
    %add3A_107 = arith.addi %mul3A_2, %add3A_106 : i32
    %add3A_108 = arith.constant 2 : i32
    %add3A_109 = arith.addi %add3A_107, %add3A_108 : i32
    %dma_wait3A_110 = arith.constant 0 : i32
    %dma_wait3A_111 = arith.constant 0 : i32
    %dma_wait3A_112 = arith.constant 52 : i32
    %dma_wait3A_113 = arith.constant 0 : i32
    %dma_wait3A_114 = tpu.memref_slice %arg6[%dma_wait3A_110, %dma_wait3A_112, %dma_wait3A_113] : memref<4x104x128xf32, #tpu.memory_space<vmem>> -> memref<1x26x64xf32, #tpu.memory_space<vmem>>
    %dma_wait3A_115 = tpu.memref_squeeze %dma_wait3A_114 : memref<1x26x64xf32, #tpu.memory_space<vmem>> -> memref<26x64xf32, #tpu.memory_space<vmem>>
    %dma_wait3A_116 = arith.constant 0 : i32
    %dma_wait3A_117 = arith.constant 0 : i32
    %dma_wait3A_118 = tpu.memref_slice %arg4[%add3A_109, %dma_wait3A_116, %dma_wait3A_117] : memref<4096x32x128xf32, #tpu.memory_space<hbm>> -> memref<1x26x64xf32, #tpu.memory_space<hbm>>
    %dma_wait3A_119 = tpu.memref_squeeze %dma_wait3A_118 : memref<1x26x64xf32, #tpu.memory_space<hbm>> -> memref<26x64xf32, #tpu.memory_space<hbm>>
    %dma_wait3A_120 = tpu.memref_slice %arg8[%dma_wait3A_111] : memref<4x!tpu.dma_semaphore, #tpu.memory_space<semaphore_mem>> -> memref<1x!tpu.dma_semaphore, #tpu.memory_space<semaphore_mem>>
    %dma_wait3A_121 = tpu.memref_squeeze %dma_wait3A_120 : memref<1x!tpu.dma_semaphore, #tpu.memory_space<semaphore_mem>> -> memref<!tpu.dma_semaphore, #tpu.memory_space<semaphore_mem>>
    %dma_wait3A_122 = arith.constant 0 : i32
    %dma_wait3A_123 = arith.constant 0 : i32
    %dma_wait3A_124 = tpu.memref_slice %arg4[%add3A_109, %dma_wait3A_122, %dma_wait3A_123] : memref<4096x32x128xf32, #tpu.memory_space<hbm>> -> memref<1x26x64xf32, #tpu.memory_space<hbm>>
    %dma_wait3A_125 = tpu.memref_squeeze %dma_wait3A_124 : memref<1x26x64xf32, #tpu.memory_space<hbm>> -> memref<26x64xf32, #tpu.memory_space<hbm>>
    %dma_wait3A_126 = arith.constant 52 : i32
    %dma_wait3A_127 = arith.constant 0 : i32
    %dma_wait3A_128 = tpu.memref_slice %arg6[%dma_wait3A_110, %dma_wait3A_126, %dma_wait3A_127] : memref<4x104x128xf32, #tpu.memory_space<vmem>> -> memref<1x26x64xf32, #tpu.memory_space<vmem>>
    %dma_wait3A_129 = tpu.memref_squeeze %dma_wait3A_128 : memref<1x26x64xf32, #tpu.memory_space<vmem>> -> memref<26x64xf32, #tpu.memory_space<vmem>>
    tpu.wait_dma2 semaphore(%dma_wait3A_121 : memref<!tpu.dma_semaphore, #tpu.memory_space<semaphore_mem>>) src(%dma_wait3A_129 : memref<26x64xf32, #tpu.memory_space<vmem>>) dst(%dma_wait3A_125 : memref<26x64xf32, #tpu.memory_space<hbm>>)
    %add3A_130 = arith.constant 0 : i32
    %add3A_131 = arith.addi %mul3A_2, %add3A_130 : i32
    %add3A_132 = arith.constant 3 : i32
    %add3A_133 = arith.addi %add3A_131, %add3A_132 : i32
    %dma_wait3A_134 = arith.constant 0 : i32
    %dma_wait3A_135 = arith.constant 0 : i32
    %dma_wait3A_136 = arith.constant 78 : i32
    %dma_wait3A_137 = arith.constant 0 : i32
    %dma_wait3A_138 = tpu.memref_slice %arg6[%dma_wait3A_134, %dma_wait3A_136, %dma_wait3A_137] : memref<4x104x128xf32, #tpu.memory_space<vmem>> -> memref<1x26x64xf32, #tpu.memory_space<vmem>>
    %dma_wait3A_139 = tpu.memref_squeeze %dma_wait3A_138 : memref<1x26x64xf32, #tpu.memory_space<vmem>> -> memref<26x64xf32, #tpu.memory_space<vmem>>
    %dma_wait3A_140 = arith.constant 0 : i32
    %dma_wait3A_141 = arith.constant 0 : i32
    %dma_wait3A_142 = tpu.memref_slice %arg4[%add3A_133, %dma_wait3A_140, %dma_wait3A_141] : memref<4096x32x128xf32, #tpu.memory_space<hbm>> -> memref<1x26x64xf32, #tpu.memory_space<hbm>>
    %dma_wait3A_143 = tpu.memref_squeeze %dma_wait3A_142 : memref<1x26x64xf32, #tpu.memory_space<hbm>> -> memref<26x64xf32, #tpu.memory_space<hbm>>
    %dma_wait3A_144 = tpu.memref_slice %arg8[%dma_wait3A_135] : memref<4x!tpu.dma_semaphore, #tpu.memory_space<semaphore_mem>> -> memref<1x!tpu.dma_semaphore, #tpu.memory_space<semaphore_mem>>
    %dma_wait3A_145 = tpu.memref_squeeze %dma_wait3A_144 : memref<1x!tpu.dma_semaphore, #tpu.memory_space<semaphore_mem>> -> memref<!tpu.dma_semaphore, #tpu.memory_space<semaphore_mem>>
    %dma_wait3A_146 = arith.constant 0 : i32
    %dma_wait3A_147 = arith.constant 0 : i32
    %dma_wait3A_148 = tpu.memref_slice %arg4[%add3A_133, %dma_wait3A_146, %dma_wait3A_147] : memref<4096x32x128xf32, #tpu.memory_space<hbm>> -> memref<1x26x64xf32, #tpu.memory_space<hbm>>
    %dma_wait3A_149 = tpu.memref_squeeze %dma_wait3A_148 : memref<1x26x64xf32, #tpu.memory_space<hbm>> -> memref<26x64xf32, #tpu.memory_space<hbm>>
    %dma_wait3A_150 = arith.constant 78 : i32
    %dma_wait3A_151 = arith.constant 0 : i32
    %dma_wait3A_152 = tpu.memref_slice %arg6[%dma_wait3A_134, %dma_wait3A_150, %dma_wait3A_151] : memref<4x104x128xf32, #tpu.memory_space<vmem>> -> memref<1x26x64xf32, #tpu.memory_space<vmem>>
    %dma_wait3A_153 = tpu.memref_squeeze %dma_wait3A_152 : memref<1x26x64xf32, #tpu.memory_space<vmem>> -> memref<26x64xf32, #tpu.memory_space<vmem>>
    tpu.wait_dma2 semaphore(%dma_wait3A_145 : memref<!tpu.dma_semaphore, #tpu.memory_space<semaphore_mem>>) src(%dma_wait3A_153 : memref<26x64xf32, #tpu.memory_space<vmem>>) dst(%dma_wait3A_149 : memref<26x64xf32, #tpu.memory_space<hbm>>)
    %add3A_154 = arith.constant 0 : i32
    %add3A_155 = arith.addi %mul3A_2, %add3A_154 : i32
    %add3A_156 = arith.constant 0 : i32
    %add3A_157 = arith.addi %add3A_155, %add3A_156 : i32
    %dma_wait3A_158 = arith.constant 1 : i32
    %dma_wait3A_159 = arith.constant 1 : i32
    %dma_wait3A_160 = arith.constant 0 : i32
    %dma_wait3A_161 = arith.constant 0 : i32
    %dma_wait3A_162 = tpu.memref_slice %arg6[%dma_wait3A_158, %dma_wait3A_160, %dma_wait3A_161] : memref<4x104x128xf32, #tpu.memory_space<vmem>> -> memref<1x26x64xf32, #tpu.memory_space<vmem>>
    %dma_wait3A_163 = tpu.memref_squeeze %dma_wait3A_162 : memref<1x26x64xf32, #tpu.memory_space<vmem>> -> memref<26x64xf32, #tpu.memory_space<vmem>>
    %dma_wait3A_164 = arith.constant 0 : i32
    %dma_wait3A_165 = arith.constant 0 : i32
    %dma_wait3A_166 = tpu.memref_slice %arg4[%add3A_157, %dma_wait3A_164, %dma_wait3A_165] : memref<4096x32x128xf32, #tpu.memory_space<hbm>> -> memref<1x26x64xf32, #tpu.memory_space<hbm>>
    %dma_wait3A_167 = tpu.memref_squeeze %dma_wait3A_166 : memref<1x26x64xf32, #tpu.memory_space<hbm>> -> memref<26x64xf32, #tpu.memory_space<hbm>>
    %dma_wait3A_168 = tpu.memref_slice %arg8[%dma_wait3A_159] : memref<4x!tpu.dma_semaphore, #tpu.memory_space<semaphore_mem>> -> memref<1x!tpu.dma_semaphore, #tpu.memory_space<semaphore_mem>>
    %dma_wait3A_169 = tpu.memref_squeeze %dma_wait3A_168 : memref<1x!tpu.dma_semaphore, #tpu.memory_space<semaphore_mem>> -> memref<!tpu.dma_semaphore, #tpu.memory_space<semaphore_mem>>
    %dma_wait3A_170 = arith.constant 0 : i32
    %dma_wait3A_171 = arith.constant 0 : i32
    %dma_wait3A_172 = tpu.memref_slice %arg4[%add3A_157, %dma_wait3A_170, %dma_wait3A_171] : memref<4096x32x128xf32, #tpu.memory_space<hbm>> -> memref<1x26x64xf32, #tpu.memory_space<hbm>>
    %dma_wait3A_173 = tpu.memref_squeeze %dma_wait3A_172 : memref<1x26x64xf32, #tpu.memory_space<hbm>> -> memref<26x64xf32, #tpu.memory_space<hbm>>
    %dma_wait3A_174 = arith.constant 0 : i32
    %dma_wait3A_175 = arith.constant 0 : i32
    %dma_wait3A_176 = tpu.memref_slice %arg6[%dma_wait3A_158, %dma_wait3A_174, %dma_wait3A_175] : memref<4x104x128xf32, #tpu.memory_space<vmem>> -> memref<1x26x64xf32, #tpu.memory_space<vmem>>
    %dma_wait3A_177 = tpu.memref_squeeze %dma_wait3A_176 : memref<1x26x64xf32, #tpu.memory_space<vmem>> -> memref<26x64xf32, #tpu.memory_space<vmem>>
    tpu.wait_dma2 semaphore(%dma_wait3A_169 : memref<!tpu.dma_semaphore, #tpu.memory_space<semaphore_mem>>) src(%dma_wait3A_177 : memref<26x64xf32, #tpu.memory_space<vmem>>) dst(%dma_wait3A_173 : memref<26x64xf32, #tpu.memory_space<hbm>>)
    %add3A_178 = arith.constant 0 : i32
    %add3A_179 = arith.addi %mul3A_2, %add3A_178 : i32
    %add3A_180 = arith.constant 1 : i32
    %add3A_181 = arith.addi %add3A_179, %add3A_180 : i32
    %dma_wait3A_182 = arith.constant 1 : i32
    %dma_wait3A_183 = arith.constant 1 : i32
    %dma_wait3A_184 = arith.constant 26 : i32
    %dma_wait3A_185 = arith.constant 0 : i32
    %dma_wait3A_186 = tpu.memref_slice %arg6[%dma_wait3A_182, %dma_wait3A_184, %dma_wait3A_185] : memref<4x104x128xf32, #tpu.memory_space<vmem>> -> memref<1x26x64xf32, #tpu.memory_space<vmem>>
    %dma_wait3A_187 = tpu.memref_squeeze %dma_wait3A_186 : memref<1x26x64xf32, #tpu.memory_space<vmem>> -> memref<26x64xf32, #tpu.memory_space<vmem>>
    %dma_wait3A_188 = arith.constant 0 : i32
    %dma_wait3A_189 = arith.constant 0 : i32
    %dma_wait3A_190 = tpu.memref_slice %arg4[%add3A_181, %dma_wait3A_188, %dma_wait3A_189] : memref<4096x32x128xf32, #tpu.memory_space<hbm>> -> memref<1x26x64xf32, #tpu.memory_space<hbm>>
    %dma_wait3A_191 = tpu.memref_squeeze %dma_wait3A_190 : memref<1x26x64xf32, #tpu.memory_space<hbm>> -> memref<26x64xf32, #tpu.memory_space<hbm>>
    %dma_wait3A_192 = tpu.memref_slice %arg8[%dma_wait3A_183] : memref<4x!tpu.dma_semaphore, #tpu.memory_space<semaphore_mem>> -> memref<1x!tpu.dma_semaphore, #tpu.memory_space<semaphore_mem>>
    %dma_wait3A_193 = tpu.memref_squeeze %dma_wait3A_192 : memref<1x!tpu.dma_semaphore, #tpu.memory_space<semaphore_mem>> -> memref<!tpu.dma_semaphore, #tpu.memory_space<semaphore_mem>>
    %dma_wait3A_194 = arith.constant 0 : i32
    %dma_wait3A_195 = arith.constant 0 : i32
    %dma_wait3A_196 = tpu.memref_slice %arg4[%add3A_181, %dma_wait3A_194, %dma_wait3A_195] : memref<4096x32x128xf32, #tpu.memory_space<hbm>> -> memref<1x26x64xf32, #tpu.memory_space<hbm>>
    %dma_wait3A_197 = tpu.memref_squeeze %dma_wait3A_196 : memref<1x26x64xf32, #tpu.memory_space<hbm>> -> memref<26x64xf32, #tpu.memory_space<hbm>>
    %dma_wait3A_198 = arith.constant 26 : i32
    %dma_wait3A_199 = arith.constant 0 : i32
    %dma_wait3A_200 = tpu.memref_slice %arg6[%dma_wait3A_182, %dma_wait3A_198, %dma_wait3A_199] : memref<4x104x128xf32, #tpu.memory_space<vmem>> -> memref<1x26x64xf32, #tpu.memory_space<vmem>>
    %dma_wait3A_201 = tpu.memref_squeeze %dma_wait3A_200 : memref<1x26x64xf32, #tpu.memory_space<vmem>> -> memref<26x64xf32, #tpu.memory_space<vmem>>
    tpu.wait_dma2 semaphore(%dma_wait3A_193 : memref<!tpu.dma_semaphore, #tpu.memory_space<semaphore_mem>>) src(%dma_wait3A_201 : memref<26x64xf32, #tpu.memory_space<vmem>>) dst(%dma_wait3A_197 : memref<26x64xf32, #tpu.memory_space<hbm>>)
    %add3A_202 = arith.constant 0 : i32
    %add3A_203 = arith.addi %mul3A_2, %add3A_202 : i32
    %add3A_204 = arith.constant 2 : i32
    %add3A_205 = arith.addi %add3A_203, %add3A_204 : i32
    %dma_wait3A_206 = arith.constant 1 : i32
    %dma_wait3A_207 = arith.constant 1 : i32
    %dma_wait3A_208 = arith.constant 52 : i32
    %dma_wait3A_209 = arith.constant 0 : i32
    %dma_wait3A_210 = tpu.memref_slice %arg6[%dma_wait3A_206, %dma_wait3A_208, %dma_wait3A_209] : memref<4x104x128xf32, #tpu.memory_space<vmem>> -> memref<1x26x64xf32, #tpu.memory_space<vmem>>
    %dma_wait3A_211 = tpu.memref_squeeze %dma_wait3A_210 : memref<1x26x64xf32, #tpu.memory_space<vmem>> -> memref<26x64xf32, #tpu.memory_space<vmem>>
    %dma_wait3A_212 = arith.constant 0 : i32
    %dma_wait3A_213 = arith.constant 0 : i32
    %dma_wait3A_214 = tpu.memref_slice %arg4[%add3A_205, %dma_wait3A_212, %dma_wait3A_213] : memref<4096x32x128xf32, #tpu.memory_space<hbm>> -> memref<1x26x64xf32, #tpu.memory_space<hbm>>
    %dma_wait3A_215 = tpu.memref_squeeze %dma_wait3A_214 : memref<1x26x64xf32, #tpu.memory_space<hbm>> -> memref<26x64xf32, #tpu.memory_space<hbm>>
    %dma_wait3A_216 = tpu.memref_slice %arg8[%dma_wait3A_207] : memref<4x!tpu.dma_semaphore, #tpu.memory_space<semaphore_mem>> -> memref<1x!tpu.dma_semaphore, #tpu.memory_space<semaphore_mem>>
    %dma_wait3A_217 = tpu.memref_squeeze %dma_wait3A_216 : memref<1x!tpu.dma_semaphore, #tpu.memory_space<semaphore_mem>> -> memref<!tpu.dma_semaphore, #tpu.memory_space<semaphore_mem>>
    %dma_wait3A_218 = arith.constant 0 : i32
    %dma_wait3A_219 = arith.constant 0 : i32
    %dma_wait3A_220 = tpu.memref_slice %arg4[%add3A_205, %dma_wait3A_218, %dma_wait3A_219] : memref<4096x32x128xf32, #tpu.memory_space<hbm>> -> memref<1x26x64xf32, #tpu.memory_space<hbm>>
    %dma_wait3A_221 = tpu.memref_squeeze %dma_wait3A_220 : memref<1x26x64xf32, #tpu.memory_space<hbm>> -> memref<26x64xf32, #tpu.memory_space<hbm>>
    %dma_wait3A_222 = arith.constant 52 : i32
    %dma_wait3A_223 = arith.constant 0 : i32
    %dma_wait3A_224 = tpu.memref_slice %arg6[%dma_wait3A_206, %dma_wait3A_222, %dma_wait3A_223] : memref<4x104x128xf32, #tpu.memory_space<vmem>> -> memref<1x26x64xf32, #tpu.memory_space<vmem>>
    %dma_wait3A_225 = tpu.memref_squeeze %dma_wait3A_224 : memref<1x26x64xf32, #tpu.memory_space<vmem>> -> memref<26x64xf32, #tpu.memory_space<vmem>>
    tpu.wait_dma2 semaphore(%dma_wait3A_217 : memref<!tpu.dma_semaphore, #tpu.memory_space<semaphore_mem>>) src(%dma_wait3A_225 : memref<26x64xf32, #tpu.memory_space<vmem>>) dst(%dma_wait3A_221 : memref<26x64xf32, #tpu.memory_space<hbm>>)
    %add3A_226 = arith.constant 0 : i32
    %add3A_227 = arith.addi %mul3A_2, %add3A_226 : i32
    %add3A_228 = arith.constant 3 : i32
    %add3A_229 = arith.addi %add3A_227, %add3A_228 : i32
    %dma_wait3A_230 = arith.constant 1 : i32
    %dma_wait3A_231 = arith.constant 1 : i32
    %dma_wait3A_232 = arith.constant 78 : i32
    %dma_wait3A_233 = arith.constant 0 : i32
    %dma_wait3A_234 = tpu.memref_slice %arg6[%dma_wait3A_230, %dma_wait3A_232, %dma_wait3A_233] : memref<4x104x128xf32, #tpu.memory_space<vmem>> -> memref<1x26x64xf32, #tpu.memory_space<vmem>>
    %dma_wait3A_235 = tpu.memref_squeeze %dma_wait3A_234 : memref<1x26x64xf32, #tpu.memory_space<vmem>> -> memref<26x64xf32, #tpu.memory_space<vmem>>
    %dma_wait3A_236 = arith.constant 0 : i32
    %dma_wait3A_237 = arith.constant 0 : i32
    %dma_wait3A_238 = tpu.memref_slice %arg4[%add3A_229, %dma_wait3A_236, %dma_wait3A_237] : memref<4096x32x128xf32, #tpu.memory_space<hbm>> -> memref<1x26x64xf32, #tpu.memory_space<hbm>>
    %dma_wait3A_239 = tpu.memref_squeeze %dma_wait3A_238 : memref<1x26x64xf32, #tpu.memory_space<hbm>> -> memref<26x64xf32, #tpu.memory_space<hbm>>
    %dma_wait3A_240 = tpu.memref_slice %arg8[%dma_wait3A_231] : memref<4x!tpu.dma_semaphore, #tpu.memory_space<semaphore_mem>> -> memref<1x!tpu.dma_semaphore, #tpu.memory_space<semaphore_mem>>
    %dma_wait3A_241 = tpu.memref_squeeze %dma_wait3A_240 : memref<1x!tpu.dma_semaphore, #tpu.memory_space<semaphore_mem>> -> memref<!tpu.dma_semaphore, #tpu.memory_space<semaphore_mem>>
    %dma_wait3A_242 = arith.constant 0 : i32
    %dma_wait3A_243 = arith.constant 0 : i32
    %dma_wait3A_244 = tpu.memref_slice %arg4[%add3A_229, %dma_wait3A_242, %dma_wait3A_243] : memref<4096x32x128xf32, #tpu.memory_space<hbm>> -> memref<1x26x64xf32, #tpu.memory_space<hbm>>
    %dma_wait3A_245 = tpu.memref_squeeze %dma_wait3A_244 : memref<1x26x64xf32, #tpu.memory_space<hbm>> -> memref<26x64xf32, #tpu.memory_space<hbm>>
    %dma_wait3A_246 = arith.constant 78 : i32
    %dma_wait3A_247 = arith.constant 0 : i32
    %dma_wait3A_248 = tpu.memref_slice %arg6[%dma_wait3A_230, %dma_wait3A_246, %dma_wait3A_247] : memref<4x104x128xf32, #tpu.memory_space<vmem>> -> memref<1x26x64xf32, #tpu.memory_space<vmem>>
    %dma_wait3A_249 = tpu.memref_squeeze %dma_wait3A_248 : memref<1x26x64xf32, #tpu.memory_space<vmem>> -> memref<26x64xf32, #tpu.memory_space<vmem>>
    tpu.wait_dma2 semaphore(%dma_wait3A_241 : memref<!tpu.dma_semaphore, #tpu.memory_space<semaphore_mem>>) src(%dma_wait3A_249 : memref<26x64xf32, #tpu.memory_space<vmem>>) dst(%dma_wait3A_245 : memref<26x64xf32, #tpu.memory_space<hbm>>)
    %add3A_250 = arith.constant 0 : i32
    %add3A_251 = arith.addi %mul3A_2, %add3A_250 : i32
    %add3A_252 = arith.constant 0 : i32
    %add3A_253 = arith.addi %add3A_251, %add3A_252 : i32
    %dma_wait3A_254 = arith.constant 2 : i32
    %dma_wait3A_255 = arith.constant 2 : i32
    %dma_wait3A_256 = arith.constant 0 : i32
    %dma_wait3A_257 = arith.constant 0 : i32
    %dma_wait3A_258 = tpu.memref_slice %arg6[%dma_wait3A_254, %dma_wait3A_256, %dma_wait3A_257] : memref<4x104x128xf32, #tpu.memory_space<vmem>> -> memref<1x26x64xf32, #tpu.memory_space<vmem>>
    %dma_wait3A_259 = tpu.memref_squeeze %dma_wait3A_258 : memref<1x26x64xf32, #tpu.memory_space<vmem>> -> memref<26x64xf32, #tpu.memory_space<vmem>>
    %dma_wait3A_260 = arith.constant 0 : i32
    %dma_wait3A_261 = arith.constant 0 : i32
    %dma_wait3A_262 = tpu.memref_slice %arg4[%add3A_253, %dma_wait3A_260, %dma_wait3A_261] : memref<4096x32x128xf32, #tpu.memory_space<hbm>> -> memref<1x26x64xf32, #tpu.memory_space<hbm>>
    %dma_wait3A_263 = tpu.memref_squeeze %dma_wait3A_262 : memref<1x26x64xf32, #tpu.memory_space<hbm>> -> memref<26x64xf32, #tpu.memory_space<hbm>>
    %dma_wait3A_264 = tpu.memref_slice %arg8[%dma_wait3A_255] : memref<4x!tpu.dma_semaphore, #tpu.memory_space<semaphore_mem>> -> memref<1x!tpu.dma_semaphore, #tpu.memory_space<semaphore_mem>>
    %dma_wait3A_265 = tpu.memref_squeeze %dma_wait3A_264 : memref<1x!tpu.dma_semaphore, #tpu.memory_space<semaphore_mem>> -> memref<!tpu.dma_semaphore, #tpu.memory_space<semaphore_mem>>
    %dma_wait3A_266 = arith.constant 0 : i32
    %dma_wait3A_267 = arith.constant 0 : i32
    %dma_wait3A_268 = tpu.memref_slice %arg4[%add3A_253, %dma_wait3A_266, %dma_wait3A_267] : memref<4096x32x128xf32, #tpu.memory_space<hbm>> -> memref<1x26x64xf32, #tpu.memory_space<hbm>>
    %dma_wait3A_269 = tpu.memref_squeeze %dma_wait3A_268 : memref<1x26x64xf32, #tpu.memory_space<hbm>> -> memref<26x64xf32, #tpu.memory_space<hbm>>
    %dma_wait3A_270 = arith.constant 0 : i32
    %dma_wait3A_271 = arith.constant 0 : i32
    %dma_wait3A_272 = tpu.memref_slice %arg6[%dma_wait3A_254, %dma_wait3A_270, %dma_wait3A_271] : memref<4x104x128xf32, #tpu.memory_space<vmem>> -> memref<1x26x64xf32, #tpu.memory_space<vmem>>
    %dma_wait3A_273 = tpu.memref_squeeze %dma_wait3A_272 : memref<1x26x64xf32, #tpu.memory_space<vmem>> -> memref<26x64xf32, #tpu.memory_space<vmem>>
    tpu.wait_dma2 semaphore(%dma_wait3A_265 : memref<!tpu.dma_semaphore, #tpu.memory_space<semaphore_mem>>) src(%dma_wait3A_273 : memref<26x64xf32, #tpu.memory_space<vmem>>) dst(%dma_wait3A_269 : memref<26x64xf32, #tpu.memory_space<hbm>>)
    %add3A_274 = arith.constant 0 : i32
    %add3A_275 = arith.addi %mul3A_2, %add3A_274 : i32
    %add3A_276 = arith.constant 1 : i32
    %add3A_277 = arith.addi %add3A_275, %add3A_276 : i32
    %dma_wait3A_278 = arith.constant 2 : i32
    %dma_wait3A_279 = arith.constant 2 : i32
    %dma_wait3A_280 = arith.constant 26 : i32
    %dma_wait3A_281 = arith.constant 0 : i32
    %dma_wait3A_282 = tpu.memref_slice %arg6[%dma_wait3A_278, %dma_wait3A_280, %dma_wait3A_281] : memref<4x104x128xf32, #tpu.memory_space<vmem>> -> memref<1x26x64xf32, #tpu.memory_space<vmem>>
    %dma_wait3A_283 = tpu.memref_squeeze %dma_wait3A_282 : memref<1x26x64xf32, #tpu.memory_space<vmem>> -> memref<26x64xf32, #tpu.memory_space<vmem>>
    %dma_wait3A_284 = arith.constant 0 : i32
    %dma_wait3A_285 = arith.constant 0 : i32
    %dma_wait3A_286 = tpu.memref_slice %arg4[%add3A_277, %dma_wait3A_284, %dma_wait3A_285] : memref<4096x32x128xf32, #tpu.memory_space<hbm>> -> memref<1x26x64xf32, #tpu.memory_space<hbm>>
    %dma_wait3A_287 = tpu.memref_squeeze %dma_wait3A_286 : memref<1x26x64xf32, #tpu.memory_space<hbm>> -> memref<26x64xf32, #tpu.memory_space<hbm>>
    %dma_wait3A_288 = tpu.memref_slice %arg8[%dma_wait3A_279] : memref<4x!tpu.dma_semaphore, #tpu.memory_space<semaphore_mem>> -> memref<1x!tpu.dma_semaphore, #tpu.memory_space<semaphore_mem>>
    %dma_wait3A_289 = tpu.memref_squeeze %dma_wait3A_288 : memref<1x!tpu.dma_semaphore, #tpu.memory_space<semaphore_mem>> -> memref<!tpu.dma_semaphore, #tpu.memory_space<semaphore_mem>>
    %dma_wait3A_290 = arith.constant 0 : i32
    %dma_wait3A_291 = arith.constant 0 : i32
    %dma_wait3A_292 = tpu.memref_slice %arg4[%add3A_277, %dma_wait3A_290, %dma_wait3A_291] : memref<4096x32x128xf32, #tpu.memory_space<hbm>> -> memref<1x26x64xf32, #tpu.memory_space<hbm>>
    %dma_wait3A_293 = tpu.memref_squeeze %dma_wait3A_292 : memref<1x26x64xf32, #tpu.memory_space<hbm>> -> memref<26x64xf32, #tpu.memory_space<hbm>>
    %dma_wait3A_294 = arith.constant 26 : i32
    %dma_wait3A_295 = arith.constant 0 : i32
    %dma_wait3A_296 = tpu.memref_slice %arg6[%dma_wait3A_278, %dma_wait3A_294, %dma_wait3A_295] : memref<4x104x128xf32, #tpu.memory_space<vmem>> -> memref<1x26x64xf32, #tpu.memory_space<vmem>>
    %dma_wait3A_297 = tpu.memref_squeeze %dma_wait3A_296 : memref<1x26x64xf32, #tpu.memory_space<vmem>> -> memref<26x64xf32, #tpu.memory_space<vmem>>
    tpu.wait_dma2 semaphore(%dma_wait3A_289 : memref<!tpu.dma_semaphore, #tpu.memory_space<semaphore_mem>>) src(%dma_wait3A_297 : memref<26x64xf32, #tpu.memory_space<vmem>>) dst(%dma_wait3A_293 : memref<26x64xf32, #tpu.memory_space<hbm>>)
    %add3A_298 = arith.constant 0 : i32
    %add3A_299 = arith.addi %mul3A_2, %add3A_298 : i32
    %add3A_300 = arith.constant 2 : i32
    %add3A_301 = arith.addi %add3A_299, %add3A_300 : i32
    %dma_wait3A_302 = arith.constant 2 : i32
    %dma_wait3A_303 = arith.constant 2 : i32
    %dma_wait3A_304 = arith.constant 52 : i32
    %dma_wait3A_305 = arith.constant 0 : i32
    %dma_wait3A_306 = tpu.memref_slice %arg6[%dma_wait3A_302, %dma_wait3A_304, %dma_wait3A_305] : memref<4x104x128xf32, #tpu.memory_space<vmem>> -> memref<1x26x64xf32, #tpu.memory_space<vmem>>
    %dma_wait3A_307 = tpu.memref_squeeze %dma_wait3A_306 : memref<1x26x64xf32, #tpu.memory_space<vmem>> -> memref<26x64xf32, #tpu.memory_space<vmem>>
    %dma_wait3A_308 = arith.constant 0 : i32
    %dma_wait3A_309 = arith.constant 0 : i32
    %dma_wait3A_310 = tpu.memref_slice %arg4[%add3A_301, %dma_wait3A_308, %dma_wait3A_309] : memref<4096x32x128xf32, #tpu.memory_space<hbm>> -> memref<1x26x64xf32, #tpu.memory_space<hbm>>
    %dma_wait3A_311 = tpu.memref_squeeze %dma_wait3A_310 : memref<1x26x64xf32, #tpu.memory_space<hbm>> -> memref<26x64xf32, #tpu.memory_space<hbm>>
    %dma_wait3A_312 = tpu.memref_slice %arg8[%dma_wait3A_303] : memref<4x!tpu.dma_semaphore, #tpu.memory_space<semaphore_mem>> -> memref<1x!tpu.dma_semaphore, #tpu.memory_space<semaphore_mem>>
    %dma_wait3A_313 = tpu.memref_squeeze %dma_wait3A_312 : memref<1x!tpu.dma_semaphore, #tpu.memory_space<semaphore_mem>> -> memref<!tpu.dma_semaphore, #tpu.memory_space<semaphore_mem>>
    %dma_wait3A_314 = arith.constant 0 : i32
    %dma_wait3A_315 = arith.constant 0 : i32
    %dma_wait3A_316 = tpu.memref_slice %arg4[%add3A_301, %dma_wait3A_314, %dma_wait3A_315] : memref<4096x32x128xf32, #tpu.memory_space<hbm>> -> memref<1x26x64xf32, #tpu.memory_space<hbm>>
    %dma_wait3A_317 = tpu.memref_squeeze %dma_wait3A_316 : memref<1x26x64xf32, #tpu.memory_space<hbm>> -> memref<26x64xf32, #tpu.memory_space<hbm>>
    %dma_wait3A_318 = arith.constant 52 : i32
    %dma_wait3A_319 = arith.constant 0 : i32
    %dma_wait3A_320 = tpu.memref_slice %arg6[%dma_wait3A_302, %dma_wait3A_318, %dma_wait3A_319] : memref<4x104x128xf32, #tpu.memory_space<vmem>> -> memref<1x26x64xf32, #tpu.memory_space<vmem>>
    %dma_wait3A_321 = tpu.memref_squeeze %dma_wait3A_320 : memref<1x26x64xf32, #tpu.memory_space<vmem>> -> memref<26x64xf32, #tpu.memory_space<vmem>>
    tpu.wait_dma2 semaphore(%dma_wait3A_313 : memref<!tpu.dma_semaphore, #tpu.memory_space<semaphore_mem>>) src(%dma_wait3A_321 : memref<26x64xf32, #tpu.memory_space<vmem>>) dst(%dma_wait3A_317 : memref<26x64xf32, #tpu.memory_space<hbm>>)
    %add3A_322 = arith.constant 0 : i32
    %add3A_323 = arith.addi %mul3A_2, %add3A_322 : i32
    %add3A_324 = arith.constant 3 : i32
    %add3A_325 = arith.addi %add3A_323, %add3A_324 : i32
    %dma_wait3A_326 = arith.constant 2 : i32
    %dma_wait3A_327 = arith.constant 2 : i32
    %dma_wait3A_328 = arith.constant 78 : i32
    %dma_wait3A_329 = arith.constant 0 : i32
    %dma_wait3A_330 = tpu.memref_slice %arg6[%dma_wait3A_326, %dma_wait3A_328, %dma_wait3A_329] : memref<4x104x128xf32, #tpu.memory_space<vmem>> -> memref<1x26x64xf32, #tpu.memory_space<vmem>>
    %dma_wait3A_331 = tpu.memref_squeeze %dma_wait3A_330 : memref<1x26x64xf32, #tpu.memory_space<vmem>> -> memref<26x64xf32, #tpu.memory_space<vmem>>
    %dma_wait3A_332 = arith.constant 0 : i32
    %dma_wait3A_333 = arith.constant 0 : i32
    %dma_wait3A_334 = tpu.memref_slice %arg4[%add3A_325, %dma_wait3A_332, %dma_wait3A_333] : memref<4096x32x128xf32, #tpu.memory_space<hbm>> -> memref<1x26x64xf32, #tpu.memory_space<hbm>>
    %dma_wait3A_335 = tpu.memref_squeeze %dma_wait3A_334 : memref<1x26x64xf32, #tpu.memory_space<hbm>> -> memref<26x64xf32, #tpu.memory_space<hbm>>
    %dma_wait3A_336 = tpu.memref_slice %arg8[%dma_wait3A_327] : memref<4x!tpu.dma_semaphore, #tpu.memory_space<semaphore_mem>> -> memref<1x!tpu.dma_semaphore, #tpu.memory_space<semaphore_mem>>
    %dma_wait3A_337 = tpu.memref_squeeze %dma_wait3A_336 : memref<1x!tpu.dma_semaphore, #tpu.memory_space<semaphore_mem>> -> memref<!tpu.dma_semaphore, #tpu.memory_space<semaphore_mem>>
    %dma_wait3A_338 = arith.constant 0 : i32
    %dma_wait3A_339 = arith.constant 0 : i32
    %dma_wait3A_340 = tpu.memref_slice %arg4[%add3A_325, %dma_wait3A_338, %dma_wait3A_339] : memref<4096x32x128xf32, #tpu.memory_space<hbm>> -> memref<1x26x64xf32, #tpu.memory_space<hbm>>
    %dma_wait3A_341 = tpu.memref_squeeze %dma_wait3A_340 : memref<1x26x64xf32, #tpu.memory_space<hbm>> -> memref<26x64xf32, #tpu.memory_space<hbm>>
    %dma_wait3A_342 = arith.constant 78 : i32
    %dma_wait3A_343 = arith.constant 0 : i32
    %dma_wait3A_344 = tpu.memref_slice %arg6[%dma_wait3A_326, %dma_wait3A_342, %dma_wait3A_343] : memref<4x104x128xf32, #tpu.memory_space<vmem>> -> memref<1x26x64xf32, #tpu.memory_space<vmem>>
    %dma_wait3A_345 = tpu.memref_squeeze %dma_wait3A_344 : memref<1x26x64xf32, #tpu.memory_space<vmem>> -> memref<26x64xf32, #tpu.memory_space<vmem>>
    tpu.wait_dma2 semaphore(%dma_wait3A_337 : memref<!tpu.dma_semaphore, #tpu.memory_space<semaphore_mem>>) src(%dma_wait3A_345 : memref<26x64xf32, #tpu.memory_space<vmem>>) dst(%dma_wait3A_341 : memref<26x64xf32, #tpu.memory_space<hbm>>)
    %add3A_346 = arith.constant 0 : i32
    %add3A_347 = arith.addi %mul3A_2, %add3A_346 : i32
    %add3A_348 = arith.constant 0 : i32
    %add3A_349 = arith.addi %add3A_347, %add3A_348 : i32
    %dma_wait3A_350 = arith.constant 3 : i32
    %dma_wait3A_351 = arith.constant 3 : i32
    %dma_wait3A_352 = arith.constant 0 : i32
    %dma_wait3A_353 = arith.constant 0 : i32
    %dma_wait3A_354 = tpu.memref_slice %arg6[%dma_wait3A_350, %dma_wait3A_352, %dma_wait3A_353] : memref<4x104x128xf32, #tpu.memory_space<vmem>> -> memref<1x26x64xf32, #tpu.memory_space<vmem>>
    %dma_wait3A_355 = tpu.memref_squeeze %dma_wait3A_354 : memref<1x26x64xf32, #tpu.memory_space<vmem>> -> memref<26x64xf32, #tpu.memory_space<vmem>>
    %dma_wait3A_356 = arith.constant 0 : i32
    %dma_wait3A_357 = arith.constant 0 : i32
    %dma_wait3A_358 = tpu.memref_slice %arg4[%add3A_349, %dma_wait3A_356, %dma_wait3A_357] : memref<4096x32x128xf32, #tpu.memory_space<hbm>> -> memref<1x26x64xf32, #tpu.memory_space<hbm>>
    %dma_wait3A_359 = tpu.memref_squeeze %dma_wait3A_358 : memref<1x26x64xf32, #tpu.memory_space<hbm>> -> memref<26x64xf32, #tpu.memory_space<hbm>>
    %dma_wait3A_360 = tpu.memref_slice %arg8[%dma_wait3A_351] : memref<4x!tpu.dma_semaphore, #tpu.memory_space<semaphore_mem>> -> memref<1x!tpu.dma_semaphore, #tpu.memory_space<semaphore_mem>>
    %dma_wait3A_361 = tpu.memref_squeeze %dma_wait3A_360 : memref<1x!tpu.dma_semaphore, #tpu.memory_space<semaphore_mem>> -> memref<!tpu.dma_semaphore, #tpu.memory_space<semaphore_mem>>
    %dma_wait3A_362 = arith.constant 0 : i32
    %dma_wait3A_363 = arith.constant 0 : i32
    %dma_wait3A_364 = tpu.memref_slice %arg4[%add3A_349, %dma_wait3A_362, %dma_wait3A_363] : memref<4096x32x128xf32, #tpu.memory_space<hbm>> -> memref<1x26x64xf32, #tpu.memory_space<hbm>>
    %dma_wait3A_365 = tpu.memref_squeeze %dma_wait3A_364 : memref<1x26x64xf32, #tpu.memory_space<hbm>> -> memref<26x64xf32, #tpu.memory_space<hbm>>
    %dma_wait3A_366 = arith.constant 0 : i32
    %dma_wait3A_367 = arith.constant 0 : i32
    %dma_wait3A_368 = tpu.memref_slice %arg6[%dma_wait3A_350, %dma_wait3A_366, %dma_wait3A_367] : memref<4x104x128xf32, #tpu.memory_space<vmem>> -> memref<1x26x64xf32, #tpu.memory_space<vmem>>
    %dma_wait3A_369 = tpu.memref_squeeze %dma_wait3A_368 : memref<1x26x64xf32, #tpu.memory_space<vmem>> -> memref<26x64xf32, #tpu.memory_space<vmem>>
    tpu.wait_dma2 semaphore(%dma_wait3A_361 : memref<!tpu.dma_semaphore, #tpu.memory_space<semaphore_mem>>) src(%dma_wait3A_369 : memref<26x64xf32, #tpu.memory_space<vmem>>) dst(%dma_wait3A_365 : memref<26x64xf32, #tpu.memory_space<hbm>>)
    %add3A_370 = arith.constant 0 : i32
    %add3A_371 = arith.addi %mul3A_2, %add3A_370 : i32
    %add3A_372 = arith.constant 1 : i32
    %add3A_373 = arith.addi %add3A_371, %add3A_372 : i32
    %dma_wait3A_374 = arith.constant 3 : i32
    %dma_wait3A_375 = arith.constant 3 : i32
    %dma_wait3A_376 = arith.constant 26 : i32
    %dma_wait3A_377 = arith.constant 0 : i32
    %dma_wait3A_378 = tpu.memref_slice %arg6[%dma_wait3A_374, %dma_wait3A_376, %dma_wait3A_377] : memref<4x104x128xf32, #tpu.memory_space<vmem>> -> memref<1x26x64xf32, #tpu.memory_space<vmem>>
    %dma_wait3A_379 = tpu.memref_squeeze %dma_wait3A_378 : memref<1x26x64xf32, #tpu.memory_space<vmem>> -> memref<26x64xf32, #tpu.memory_space<vmem>>
    %dma_wait3A_380 = arith.constant 0 : i32
    %dma_wait3A_381 = arith.constant 0 : i32
    %dma_wait3A_382 = tpu.memref_slice %arg4[%add3A_373, %dma_wait3A_380, %dma_wait3A_381] : memref<4096x32x128xf32, #tpu.memory_space<hbm>> -> memref<1x26x64xf32, #tpu.memory_space<hbm>>
    %dma_wait3A_383 = tpu.memref_squeeze %dma_wait3A_382 : memref<1x26x64xf32, #tpu.memory_space<hbm>> -> memref<26x64xf32, #tpu.memory_space<hbm>>
    %dma_wait3A_384 = tpu.memref_slice %arg8[%dma_wait3A_375] : memref<4x!tpu.dma_semaphore, #tpu.memory_space<semaphore_mem>> -> memref<1x!tpu.dma_semaphore, #tpu.memory_space<semaphore_mem>>
    %dma_wait3A_385 = tpu.memref_squeeze %dma_wait3A_384 : memref<1x!tpu.dma_semaphore, #tpu.memory_space<semaphore_mem>> -> memref<!tpu.dma_semaphore, #tpu.memory_space<semaphore_mem>>
    %dma_wait3A_386 = arith.constant 0 : i32
    %dma_wait3A_387 = arith.constant 0 : i32
    %dma_wait3A_388 = tpu.memref_slice %arg4[%add3A_373, %dma_wait3A_386, %dma_wait3A_387] : memref<4096x32x128xf32, #tpu.memory_space<hbm>> -> memref<1x26x64xf32, #tpu.memory_space<hbm>>
    %dma_wait3A_389 = tpu.memref_squeeze %dma_wait3A_388 : memref<1x26x64xf32, #tpu.memory_space<hbm>> -> memref<26x64xf32, #tpu.memory_space<hbm>>
    %dma_wait3A_390 = arith.constant 26 : i32
    %dma_wait3A_391 = arith.constant 0 : i32
    %dma_wait3A_392 = tpu.memref_slice %arg6[%dma_wait3A_374, %dma_wait3A_390, %dma_wait3A_391] : memref<4x104x128xf32, #tpu.memory_space<vmem>> -> memref<1x26x64xf32, #tpu.memory_space<vmem>>
    %dma_wait3A_393 = tpu.memref_squeeze %dma_wait3A_392 : memref<1x26x64xf32, #tpu.memory_space<vmem>> -> memref<26x64xf32, #tpu.memory_space<vmem>>
    tpu.wait_dma2 semaphore(%dma_wait3A_385 : memref<!tpu.dma_semaphore, #tpu.memory_space<semaphore_mem>>) src(%dma_wait3A_393 : memref<26x64xf32, #tpu.memory_space<vmem>>) dst(%dma_wait3A_389 : memref<26x64xf32, #tpu.memory_space<hbm>>)
    %add3A_394 = arith.constant 0 : i32
    %add3A_395 = arith.addi %mul3A_2, %add3A_394 : i32
    %add3A_396 = arith.constant 2 : i32
    %add3A_397 = arith.addi %add3A_395, %add3A_396 : i32
    %dma_wait3A_398 = arith.constant 3 : i32
    %dma_wait3A_399 = arith.constant 3 : i32
    %dma_wait3A_400 = arith.constant 52 : i32
    %dma_wait3A_401 = arith.constant 0 : i32
    %dma_wait3A_402 = tpu.memref_slice %arg6[%dma_wait3A_398, %dma_wait3A_400, %dma_wait3A_401] : memref<4x104x128xf32, #tpu.memory_space<vmem>> -> memref<1x26x64xf32, #tpu.memory_space<vmem>>
    %dma_wait3A_403 = tpu.memref_squeeze %dma_wait3A_402 : memref<1x26x64xf32, #tpu.memory_space<vmem>> -> memref<26x64xf32, #tpu.memory_space<vmem>>
    %dma_wait3A_404 = arith.constant 0 : i32
    %dma_wait3A_405 = arith.constant 0 : i32
    %dma_wait3A_406 = tpu.memref_slice %arg4[%add3A_397, %dma_wait3A_404, %dma_wait3A_405] : memref<4096x32x128xf32, #tpu.memory_space<hbm>> -> memref<1x26x64xf32, #tpu.memory_space<hbm>>
    %dma_wait3A_407 = tpu.memref_squeeze %dma_wait3A_406 : memref<1x26x64xf32, #tpu.memory_space<hbm>> -> memref<26x64xf32, #tpu.memory_space<hbm>>
    %dma_wait3A_408 = tpu.memref_slice %arg8[%dma_wait3A_399] : memref<4x!tpu.dma_semaphore, #tpu.memory_space<semaphore_mem>> -> memref<1x!tpu.dma_semaphore, #tpu.memory_space<semaphore_mem>>
    %dma_wait3A_409 = tpu.memref_squeeze %dma_wait3A_408 : memref<1x!tpu.dma_semaphore, #tpu.memory_space<semaphore_mem>> -> memref<!tpu.dma_semaphore, #tpu.memory_space<semaphore_mem>>
    %dma_wait3A_410 = arith.constant 0 : i32
    %dma_wait3A_411 = arith.constant 0 : i32
    %dma_wait3A_412 = tpu.memref_slice %arg4[%add3A_397, %dma_wait3A_410, %dma_wait3A_411] : memref<4096x32x128xf32, #tpu.memory_space<hbm>> -> memref<1x26x64xf32, #tpu.memory_space<hbm>>
    %dma_wait3A_413 = tpu.memref_squeeze %dma_wait3A_412 : memref<1x26x64xf32, #tpu.memory_space<hbm>> -> memref<26x64xf32, #tpu.memory_space<hbm>>
    %dma_wait3A_414 = arith.constant 52 : i32
    %dma_wait3A_415 = arith.constant 0 : i32
    %dma_wait3A_416 = tpu.memref_slice %arg6[%dma_wait3A_398, %dma_wait3A_414, %dma_wait3A_415] : memref<4x104x128xf32, #tpu.memory_space<vmem>> -> memref<1x26x64xf32, #tpu.memory_space<vmem>>
    %dma_wait3A_417 = tpu.memref_squeeze %dma_wait3A_416 : memref<1x26x64xf32, #tpu.memory_space<vmem>> -> memref<26x64xf32, #tpu.memory_space<vmem>>
    tpu.wait_dma2 semaphore(%dma_wait3A_409 : memref<!tpu.dma_semaphore, #tpu.memory_space<semaphore_mem>>) src(%dma_wait3A_417 : memref<26x64xf32, #tpu.memory_space<vmem>>) dst(%dma_wait3A_413 : memref<26x64xf32, #tpu.memory_space<hbm>>)
    %add3A_418 = arith.constant 0 : i32
    %add3A_419 = arith.addi %mul3A_2, %add3A_418 : i32
    %add3A_420 = arith.constant 3 : i32
    %add3A_421 = arith.addi %add3A_419, %add3A_420 : i32
    %dma_wait3A_422 = arith.constant 3 : i32
    %dma_wait3A_423 = arith.constant 3 : i32
    %dma_wait3A_424 = arith.constant 78 : i32
    %dma_wait3A_425 = arith.constant 0 : i32
    %dma_wait3A_426 = tpu.memref_slice %arg6[%dma_wait3A_422, %dma_wait3A_424, %dma_wait3A_425] : memref<4x104x128xf32, #tpu.memory_space<vmem>> -> memref<1x26x64xf32, #tpu.memory_space<vmem>>
    %dma_wait3A_427 = tpu.memref_squeeze %dma_wait3A_426 : memref<1x26x64xf32, #tpu.memory_space<vmem>> -> memref<26x64xf32, #tpu.memory_space<vmem>>
    %dma_wait3A_428 = arith.constant 0 : i32
    %dma_wait3A_429 = arith.constant 0 : i32
    %dma_wait3A_430 = tpu.memref_slice %arg4[%add3A_421, %dma_wait3A_428, %dma_wait3A_429] : memref<4096x32x128xf32, #tpu.memory_space<hbm>> -> memref<1x26x64xf32, #tpu.memory_space<hbm>>
    %dma_wait3A_431 = tpu.memref_squeeze %dma_wait3A_430 : memref<1x26x64xf32, #tpu.memory_space<hbm>> -> memref<26x64xf32, #tpu.memory_space<hbm>>
    %dma_wait3A_432 = tpu.memref_slice %arg8[%dma_wait3A_423] : memref<4x!tpu.dma_semaphore, #tpu.memory_space<semaphore_mem>> -> memref<1x!tpu.dma_semaphore, #tpu.memory_space<semaphore_mem>>
    %dma_wait3A_433 = tpu.memref_squeeze %dma_wait3A_432 : memref<1x!tpu.dma_semaphore, #tpu.memory_space<semaphore_mem>> -> memref<!tpu.dma_semaphore, #tpu.memory_space<semaphore_mem>>
    %dma_wait3A_434 = arith.constant 0 : i32
    %dma_wait3A_435 = arith.constant 0 : i32
    %dma_wait3A_436 = tpu.memref_slice %arg4[%add3A_421, %dma_wait3A_434, %dma_wait3A_435] : memref<4096x32x128xf32, #tpu.memory_space<hbm>> -> memref<1x26x64xf32, #tpu.memory_space<hbm>>
    %dma_wait3A_437 = tpu.memref_squeeze %dma_wait3A_436 : memref<1x26x64xf32, #tpu.memory_space<hbm>> -> memref<26x64xf32, #tpu.memory_space<hbm>>
    %dma_wait3A_438 = arith.constant 78 : i32
    %dma_wait3A_439 = arith.constant 0 : i32
    %dma_wait3A_440 = tpu.memref_slice %arg6[%dma_wait3A_422, %dma_wait3A_438, %dma_wait3A_439] : memref<4x104x128xf32, #tpu.memory_space<vmem>> -> memref<1x26x64xf32, #tpu.memory_space<vmem>>
    %dma_wait3A_441 = tpu.memref_squeeze %dma_wait3A_440 : memref<1x26x64xf32, #tpu.memory_space<vmem>> -> memref<26x64xf32, #tpu.memory_space<vmem>>
    tpu.wait_dma2 semaphore(%dma_wait3A_433 : memref<!tpu.dma_semaphore, #tpu.memory_space<semaphore_mem>>) src(%dma_wait3A_441 : memref<26x64xf32, #tpu.memory_space<vmem>>) dst(%dma_wait3A_437 : memref<26x64xf32, #tpu.memory_space<hbm>>)
    return
  }
}

</mosaic_0001>

<sc_bundles>
// kernel: _embed_sc.3.cloned.1.call-start
scs
__scs_entry_jumppad:
0x0: {  	(pc) =	sbr.rel $0x88, $3  }
0x1: {  	(tag) =	ssettag $0x0;
	lr =	simm.s32 $0x1  }
0x2: {  	[smem:$0x3F9F] =	sst lr;
	_ =	strace $0xD0000000  }
0x3: {  	_ = 	snop  }
0x4: {  	_ = 	snop  }
0x5: {  	_ = 	snop  }
0x6: {  	_ = 	snop  }
0x7: {  	_ = 	snop  }
__scs_overlays_trampoline_lowered:
0x8: {  	[smem:$0x3FAE] =	sst s0  }
0x9: {  	[smem:$0x3FAF] =	sst s1  }
0xa: {  	[smem:$0x3FB0] =	sst s2  }
0xb: {  	[smem:$0x3FB1] =	sst s3  }
0xc: {  	[smem:$0x3FB2] =	sst s4  }
0xd: {  	[smem:$0x3FB3] =	sst s5  }
0xe: {  	[smem:$0x3FB4] =	sst s6  }
0xf: {  	[smem:$0x3FB5] =	sst s7  }
0x10: {  	[smem:$0x3FB6] =	sst s8  }
0x11: {  	[smem:$0x3FB7] =	sst s9;
	s0 =	simm.s32 @!p0 $0x0  }
0x12: {  	s1 =	sld [smem:$0x3F9D];
	s0 =	simm.s32 @p0 $0x1  }
0x13: {  	[smem:$0x3FB8] =	sst s0;
	s0 =	simm.s32 @!p1 $0x0  }
0x14: {  	s2 =	sld [smem:$0x3F9C];
	s0 =	simm.s32 @p1 $0x1  }
0x15: {  	[smem:$0x3FB9] =	sst s0;
	s0 =	simm.s32 @!p2 $0x0  }
0x16: {  	s3 =	sld [smem:$0x3FDB];
	s0 =	simm.s32 @p2 $0x1  }
0x17: {  	s4 =	simm.s32 $0x1BF5;
	[smem:$0x3FBB] =	sst s0  }
0x18: {  	s0 =	sld [smem:$0x3F9E];
	_ =	swait.ge [sflag:s4], $0x0  }
0x19: {  	s7 =	sld [smem:$0x3F9F]  }
0x1a: {  	s8 =	sadd.s32 $0xFFFFE003, lr  }
0x1b: {  	s9 =	sadd.s32 $0xFFFFFEF7, lr;
	s5 =	simm.s32 $0xFFFFFFFF;
	p2 =	slt.u32 s8, $0xFFFFF086  }
0x1c: {  	p1 =	slt.u32 s9, $0xF7A;
	s5 =	simm.s32 @!p2 $0x0  }
0x1d: {  	s5 =	simm.s32 @p1 $0x1;
	p0 =	seq.s32 s7, s2  }
0x1e: {  	s7 =	smul.u32 @!p0 $0xF7A, s2;
	p2 =	seq.s32 @!p0 s5, $0x0  }
0x1f: {  	s9 =	smul.u32 $0xF7A, s1;
	s8 =	simm.s32 @!p0 $0x1BF5;
	p2 =	por !p2, p0  }
0x20: {  	[sflag:s8] =	ssyncset.s32 @!p0 $0xFFFFF086;
	s6 =	sadd.s32 @!p0 s3, s7;
	s7 =	simm.s32 @!p0 $0x108  }
0x21: {  	s3 =	sadd.s32 s3, s9;
	s6 =	sadd.s32 @!p0 $0x88, s6;
	s7 =	simm.s32 @p2 $0x1082  }
0x22: {  	[simem:s7], [sflag:s8] =	dma.local @!p0 [hbm:s6], $0xF7A  }
0x23: {  	s9 =	sor.u32 $0xD0000000, s2;
	s6 =	simm.s32 $0x108;
	_ =	swait.ge @!p0 [sflag:s8], $0x0  }
0x24: {  	s3 =	sadd.s32 $0x88, s3;
	s6 =	simm.s32 @!p1 $0x1082;
	[sflag:s4] =	ssyncset.s32 $0xFFFFF086  }
0x25: {  	[simem:s6], [sflag:s4] =	dma.local [hbm:s3], $0xF7A  }
0x26: {  	[smem:$0x3F9F] =	sst s1;
	(tag) =	ssettag s2;
	_ =	strace s9  }
0x27: {  	s1 =	sld [smem:$0x3FAF]  }
0x28: {  	s2 =	sld [smem:$0x3FB0]  }
0x29: {  	s4 =	sld [smem:$0x3FB2]  }
0x2a: {  	p0 =	seq.s32 s5, $0x0;
	s5 =	sld [smem:$0x3FB3]  }
0x2b: {  	s6 =	sld [smem:$0x3FB4]  }
0x2c: {  	s7 =	sld [smem:$0x3FB5]  }
0x2d: {  	s3 =	simm.s32 $0x108;
	s8 =	sld [smem:$0x3FB6]  }
0x2e: {  	s3 =	simm.s32 @!p0 $0x1082;
	s9 =	sld [smem:$0x3FB7]  }
0x2f: {  	lr =	sadd.s32 s0, s3;
	s0 =	sld [smem:$0x3FAE]  }
0x30: {  	s3 =	sld [smem:$0x3FB1]  }
0x31: {  	[smem:$0x3FBA] =	sst s10  }
0x32: {  	s10 =	sld [smem:$0x3FB8];
	_ =	sdelay $0x3  }
0x33: {  	p0 =	seq.s32 s10, $0x1;
	s10 =	sld [smem:$0x3FBA];
	_ =	sdelay $0x3  }
0x34: {  	[smem:$0x3FBA] =	sst s10  }
0x35: {  	s10 =	sld [smem:$0x3FB9];
	_ =	sdelay $0x3  }
0x36: {  	p1 =	seq.s32 s10, $0x1;
	s10 =	sld [smem:$0x3FBA];
	_ =	sdelay $0x3  }
0x37: {  	[smem:$0x3FBA] =	sst s10  }
0x38: {  	s10 =	sld [smem:$0x3FBB]  }
0x39: {  	_ = 	snop;
	(pc) =	sbr.ind lr, $3  }
0x3a: {  	_ = 	snop  }
0x3b: {  	_ = 	snop  }
0x3c: {  	p2 =	seq.s32 s10, $0x1;
	s10 =	sld [smem:$0x3FBA]  }
0x3d: {  	_ =	shalt  }
0x3e: {  	_ =	shalt  }
0x3f: {  	_ =	shalt  }
0x40: {  	_ =	shalt  }
0x41: {  	_ =	shalt  }
0x42: {  	_ =	shalt  }
0x43: {  	_ =	shalt  }
0x44: {  	_ =	shalt  }
0x45: {  	_ =	shalt  }
0x46: {  	_ =	shalt  }
0x47: {  	_ =	shalt  }
0x48: {  	_ =	shalt  }
0x49: {  	_ =	shalt  }
0x4a: {  	_ =	shalt  }
0x4b: {  	_ =	shalt  }
0x4c: {  	_ =	shalt  }
0x4d: {  	_ =	shalt  }
0x4e: {  	_ =	shalt  }
0x4f: {  	_ =	shalt  }
0x50: {  	_ =	shalt  }
0x51: {  	_ =	shalt  }
0x52: {  	_ =	shalt  }
0x53: {  	_ =	shalt  }
0x54: {  	_ =	shalt  }
0x55: {  	_ =	shalt  }
0x56: {  	_ =	shalt  }
0x57: {  	_ =	shalt  }
0x58: {  	_ =	shalt  }
0x59: {  	_ =	shalt  }
0x5a: {  	_ =	shalt  }
0x5b: {  	_ =	shalt  }
0x5c: {  	_ =	shalt  }
0x5d: {  	_ =	shalt  }
0x5e: {  	_ =	shalt  }
0x5f: {  	_ =	shalt  }
0x60: {  	_ =	shalt  }
0x61: {  	_ =	shalt  }
0x62: {  	_ =	shalt  }
0x63: {  	_ =	shalt  }
0x64: {  	_ =	shalt  }
0x65: {  	_ =	shalt  }
0x66: {  	_ =	shalt  }
0x67: {  	_ =	shalt  }
0x68: {  	_ =	shalt  }
0x69: {  	_ =	shalt  }
0x6a: {  	_ =	shalt  }
0x6b: {  	_ =	shalt  }
0x6c: {  	_ =	shalt  }
0x6d: {  	_ =	shalt  }
0x6e: {  	_ =	shalt  }
0x6f: {  	_ =	shalt  }
0x70: {  	_ =	shalt  }
0x71: {  	_ =	shalt  }
0x72: {  	_ =	shalt  }
0x73: {  	_ =	shalt  }
0x74: {  	_ =	shalt  }
0x75: {  	_ =	shalt  }
0x76: {  	_ =	shalt  }
0x77: {  	_ =	shalt  }
0x78: {  	_ =	shalt  }
0x79: {  	_ =	shalt  }
0x7a: {  	_ =	shalt  }
0x7b: {  	_ =	shalt  }
0x7c: {  	_ =	shalt  }
0x7d: {  	_ =	shalt  }
0x7e: {  	_ =	shalt  }
0x7f: {  	_ =	shalt  }
0x80: {  	_ =	shalt  }
0x81: {  	_ =	shalt  }
0x82: {  	_ =	shalt  }
0x83: {  	_ =	shalt  }
0x84: {  	_ =	shalt  }
0x85: {  	_ =	shalt  }
0x86: {  	_ =	shalt  }
0x87: {  	_ =	shalt  }
.Lfunc_end0:
.L_simem_size_0:
called_computation_lowered:
.L_overlay_start_0:
0x88: {  	s2 =	sld [smem:$0x3FD9]  }
0x89: {  	s3 =	sld [smem:$0x3FFE];
	_ =	sdelay $0x1  }
0x8a: {  	s1 =	srdreg.scid  }
0x8b: {  	s0 =	sand.u32 $0x1, s1  }
0x8c: {  	s17 =	sshll.u32 s0, $0xA;
	s2 =	sadd.s32 s3, s2  }
0x8d: {  	s2 =	sadd.s32 s2, s17  }
0x8e: {  	[smem:$0x3FC6] =	sst s2  }
0x8f: {  	_ = 	snop  }
0x90: {  	s2 =	sld [smem:$0x3FC8]  }
0x91: {  	s18 =	sld [smem:$0x3FD0];
	(tm) =	ssettm $0x1  }
0x92: {  	s4 =	sld [smem:$0x3FFB];
	_ =	sdelay $0x3  }
0x93: {  	_ =	strace s4  }
0x94: {  	s4 =	sld [smem:$0x3FFC];
	_ =	sdelay $0x3  }
0x95: {  	_ =	strace s4  }
0x96: {  	s4 =	sld [smem:$0x3FFD];
	_ =	sdelay $0x3  }
0x97: {  	_ =	strace s4  }
0x98: {  	_ =	strace $0x8FFFFFFF  }
0x99: {  	s19 =	sld [smem:$0x3FDB];
	_ =	sdelay $0x1  }
0x9a: {  	s5 =	simm.s32 $_scs_section_size  }
0x9b: {  	s6 =	simm.s32 $_size__tile_overlayer_lowered;
	s7 =	simm.s32 $_tile_overlayer_lowered  }
0x9c: {  	s22 =	simm.s32 $0x1BFF;
	s21 =	sshll.u32 s7, $0x1;
	s4 =	sadd.s32 s5, s19  }
0x9d: {  	s8 =	simm.s32 $0x0;
	s20 =	sshll.u32 s6, $0x1;
	s6 =	sadd.s32 s21, s4  }
0x9e: {  	[timem:s8], [sflag:s22] =	dma.local [hbm:s6], s20  }
0x9f: {  	_ =	swait.ge [sflag:s22], s20  }
0xa0: {  	s5 =	ssub.s32 $0x0, s20;
	[sflag:s22] =	ssyncset.done $0x0  }
0xa1: {  	[sflag:s22] =	ssyncadd.s32 s5;
	_ =	sdelay $0x1  }
0xa2: {  	s23 =	simm.s32 $0x1B8B  }
0xa3: {  	_ =	swait.ge [sflag:s23], $0x1  }
0xa4: {  	[sflag:s23] =	ssyncset.done $0x0  }
0xa5: {  	s25 =	simm.s32 $0x1B8E;
	s24 =	sld [smem:$0x3FFE];
	[sflag:s23] =	ssyncadd.s32 $0xFFFFFFFF  }
0xa6: {  	s26 =	simm.s32 $execute0_lowered;
	[smem:$0x3FD2] =	sst s25  }
0xa7: {  	s6 =	sshll.u32 s26, $0x1;
	_ =	strace $0x80000046;
	[dreg:$0x1] =	wrdreg $0xFFFFFFFF  }
0xa8: {  	s28 =	simm.s32 $_size_execute0_lowered;
	s4 =	sadd.s32 s4, s6;
	[dreg:$0x0] =	wrdreg $0x0  }
0xa9: {  	s6 =	sshll.u32 s28, $0x1;
	[dreg:$0x2] =	wrdreg s4  }
0xaa: {  	[dreg:$0x3] =	wrdreg s6  }
0xab: {  	[dreg:$0x4] =	wrdreg $0xC0  }
0xac: {  	_ =	task [dreg:s8], $0x5FFFF  }
0xad: {  	[dreg:$0x1] =	wrdreg $0xFFFFFFFF  }
0xae: {  	[dreg:$0x0] =	wrdreg $0x60  }
0xaf: {  	[dreg:$0x2] =	wrdreg s18  }
0xb0: {  	[dreg:$0x3] =	wrdreg s2  }
0xb1: {  	[dreg:$0x4] =	wrdreg s24  }
0xb2: {  	[dreg:$0x5] =	wrdreg $0x9  }
0xb3: {  	_ =	task.clear_ibuf [dreg:s8], $0x6FFFF;
	_ =	strace $0x90000046  }
0xb4: {  	s29 =	simm.s32 $0x9;
	_ =	strace $0x80000048  }
0xb5: {  	_ =	swait.ge [sflag:s29], $0x1  }
0xb6: {  	[sflag:s29] =	ssyncadd.s32 $0xFFFFFFFF  }
0xb7: {  	_ =	strace $0x90000048  }
0xb8: {  	_ =	sfence  }
0xb9: {  	s30 =	sld [smem:$0x0];
	_ =	sdelay $0x2  }
0xba: {  	s31 =	sshll.u32 s1, $0xD;
	s1 =	sshrl.u32 s1, $0x2  }
0xbb: {  	s3 =	sand.u32 $0x4000, s31;
	s1 =	sadd.s32 s1, s30  }
0xbc: {  	s0 =	sor.u32 s3, s0;
	s1 =	sshll.u32 s1, $0x11  }
0xbd: {  	s0 =	sor.u32 s1, s0  }
0xbe: {  	s0 =	sadd.s32 $0x8F2B, s0  }
0xbf: {  	[sflag:s0] =	ssyncadd.remote.s32 $0x1  }
0xc0: {  	_ =	sfence.sel $0xFFFF  }
0xc1: {  	[dreg:$0x0] =	wrdreg $0xFFFFFFFF;
	(pc) =	sbr.abs _section_cstart, $3  }
0xc2: {  	[dreg:$0x1] =	wrdreg $0xFFFFFFFF  }
0xc3: {  	_ =	task.clear_ibuf [dreg:s8], $0x2FFFF;
	_ =	strace $0x9FFFFFFF  }
0xc4: {  	(tm) =	ssettm $0x7FFFFFFF  }
0xc5: {  	_ =	shalt  }
tec
execute0_lowered:
.L_overlay_start_1:
0x0: {  	(tag) =	ssettag $0x1  }
0x1: {  	s0 =	rddreg [dreg:$0x0]  }
0x2: {  	s2 =	rddreg [dreg:$0x1];
	s1 =	srdreg.scid  }
0x3: {  	s3 =	stileid.u32;
	s9 =	rddreg [dreg:$0x2];
	s11 =	simm.s32 $0x9  }
0x4: {  	s12 =	simm.s32 $0x68;
	s17 =	simm.s32 $0x138;
	s18 =	simm.s32 $0xA900  }
0x5: {  	s19 =	simm.s32 $0x1;
	s20 =	simm.s32 $0x2;
	s21 =	simm.s32 $0x3  }
0x6: {  	s22 =	simm.s32 $0x4;
	s23 =	simm.s32 $0x5;
	s24 =	simm.s32 $0x6  }
0x7: {  	s25 =	simm.s32 $0x7;
	s26 =	simm.s32 $0x8;
	s28 =	simm.s32 $0x0  }
0x8: {  	s1 =	sand.u32 $0x1, s1;
	s4 =	sshll.u32 s3, $0x1;
	s3 =	simm.s32 $0x0  }
.Ltmp0:
0x9: {  	s8 =	sadd.s32 $0x800, s9;
	s5 =	sor.u32 s1, s4;
	(pc) =	sbr.rel .LBB2_1-.Ltmp0, $4  }
0xa: {  	[smem:$0x7FF] =	sst s3;
	s1 =	ssub.s32 $0x2, s1;
	s4 =	sadd.s32 $0x400, s9  }
0xb: {  	s6 =	smul.u32 $0x1A0, s5;
	_ =	strace $0x80000047;
	s7 =	sshrl.u32 s1, $0x1  }
0xc: {  	s5 =	sshll.u32 s5, $0x7;
	s1 =	ssub.s32 s1, s7;
	s7 =	sadd.s32 $0x600, s9  }
0xd: {  	s9 =	sadd.s32 $0xA00, s9;
	s6 =	sadd.s32 s0, s6;
	s10 =	smax.u32 s1, $0x1  }
.LBB2_36:
0xe: {  	_ =	swait.ge [sflag:s23], $0x680  }
0xf: {  	[sflag:s23] =	ssyncset.done $0x0  }
0x10: {  	[sflag:s23] =	ssyncadd.s32 $0xFFFFF980  }
0x11: {  	_ =	swait.ge [sflag:s23], $0x680  }
0x12: {  	[sflag:s23] =	ssyncset.done $0x0  }
0x13: {  	[sflag:s23] =	ssyncadd.s32 $0xFFFFF980  }
0x14: {  	_ =	swait.ge [sflag:s23], $0x680  }
0x15: {  	[sflag:s23] =	ssyncset.done $0x0  }
0x16: {  	[sflag:s23] =	ssyncadd.s32 $0xFFFFF980  }
0x17: {  	_ =	swait.ge [sflag:s23], $0x680  }
0x18: {  	[sflag:s23] =	ssyncset.done $0x0  }
0x19: {  	[sflag:s23] =	ssyncadd.s32 $0xFFFFF980  }
0x1a: {  	_ =	swait.ge [sflag:s24], $0x680  }
0x1b: {  	[sflag:s24] =	ssyncset.done $0x0  }
0x1c: {  	[sflag:s24] =	ssyncadd.s32 $0xFFFFF980  }
0x1d: {  	_ =	swait.ge [sflag:s24], $0x680  }
0x1e: {  	[sflag:s24] =	ssyncset.done $0x0  }
0x1f: {  	[sflag:s24] =	ssyncadd.s32 $0xFFFFF980  }
0x20: {  	_ =	swait.ge [sflag:s24], $0x680  }
0x21: {  	[sflag:s24] =	ssyncset.done $0x0  }
0x22: {  	[sflag:s24] =	ssyncadd.s32 $0xFFFFF980  }
0x23: {  	_ =	swait.ge [sflag:s24], $0x680  }
0x24: {  	[sflag:s24] =	ssyncset.done $0x0  }
0x25: {  	[sflag:s24] =	ssyncadd.s32 $0xFFFFF980  }
0x26: {  	_ =	swait.ge [sflag:s25], $0x680  }
0x27: {  	[sflag:s25] =	ssyncset.done $0x0  }
0x28: {  	[sflag:s25] =	ssyncadd.s32 $0xFFFFF980  }
0x29: {  	_ =	swait.ge [sflag:s25], $0x680  }
0x2a: {  	[sflag:s25] =	ssyncset.done $0x0  }
0x2b: {  	[sflag:s25] =	ssyncadd.s32 $0xFFFFF980  }
0x2c: {  	_ =	swait.ge [sflag:s25], $0x680  }
0x2d: {  	[sflag:s25] =	ssyncset.done $0x0  }
0x2e: {  	[sflag:s25] =	ssyncadd.s32 $0xFFFFF980  }
0x2f: {  	_ =	swait.ge [sflag:s25], $0x680  }
0x30: {  	[sflag:s25] =	ssyncset.done $0x0  }
0x31: {  	[sflag:s25] =	ssyncadd.s32 $0xFFFFF980  }
0x32: {  	_ =	swait.ge [sflag:s26], $0x680  }
0x33: {  	[sflag:s26] =	ssyncset.done $0x0  }
0x34: {  	[sflag:s26] =	ssyncadd.s32 $0xFFFFF980  }
0x35: {  	_ =	swait.ge [sflag:s26], $0x680  }
0x36: {  	[sflag:s26] =	ssyncset.done $0x0  }
0x37: {  	s28 =	sadd.s32 $0x1, s28;
	[sflag:s26] =	ssyncadd.s32 $0xFFFFF980  }
0x38: {  	p0 =	sne.s32 s28, s10;
	_ =	swait.ge [sflag:s26], $0x680  }
.Ltmp1:
0x39: {  	[sflag:s26] =	ssyncset.done $0x0;
	(pc) =	sbr.rel @!p0 .LBB2_37-.Ltmp1, $4  }
0x3a: {  	[sflag:s26] =	ssyncadd.s32 $0xFFFFF980  }
0x3b: {  	_ =	swait.ge [sflag:s26], $0x680  }
0x3c: {  	[sflag:s26] =	ssyncset.done $0x0  }
0x3d: {  	[sflag:s26] =	ssyncadd.s32 $0xFFFFF980  }
.LBB2_1:
0x3e: {  	[tilespmem:s3], [sflag:$0x9] =	stream.linear.gather [hbm4b:s6+s3], $0xD00, $0x38;
	[tilespmem:$0xDD00] =	vst v63  }
0x3f: {  	_ =	swait.ge [sflag:s11], $0xD00  }
0x40: {  	[sflag:s11] =	ssyncset.done $0x0  }
0x41: {  	s0 =	simm.s32 $0xD00;
	[sflag:s11] =	ssyncadd.s32 $0xFFFFF300  }
0x42: {  	[tilespmem:s0], [sflag:$0x1] =	stream.indirect.gather [hbm4b:s2+s12], $0x80, s3, s12, $0xb8;
	[tilespmem:$0xDD00] =	vst v63  }
0x43: {  	s30 =	simm.s32 $0x4100  }
0x44: {  	[tilespmem:s30], [sflag:$0x2] =	stream.indirect.gather [hbm4b:s2+s12], $0x80, s12, s12, $0xb8;
	[tilespmem:$0xDD00] =	vst v63  }
0x45: {  	s31 =	simm.s32 $0xD0;
	s1 =	simm.s32 $0x7500  }
0x46: {  	[tilespmem:s1], [sflag:$0x3] =	stream.indirect.gather [hbm4b:s2+s12], $0x80, s31, s12, $0xb8;
	[tilespmem:$0xDD00] =	vst v63  }
0x47: {  	s29 =	simm.s32 $0x0  }
0x48: {  	[tilespmem:s18], [sflag:$0x4] =	stream.indirect.gather [hbm4b:s2+s12], $0x80, s17, s12, $0xb8;
	[tilespmem:$0xDD00] =	vst v63  }
.LBB2_2:
0x49: {  	s31 =	sshll.u32 s29, $0x4  }
0x4a: {  	s0 =	sadd.s32 s5, s31  }
0x4b: {  	_ =	swait.ge [sflag:s19], $0x3400;
	s13 =	simm.s32 $0x10;
	s30 =	sshll.u32 s0, $0x9  }
0x4c: {  	s14 =	simm.s32 $0xD80;
	[sflag:s19] =	ssyncset.done $0x0;
	s1 =	sadd.s32 s4, s30  }
0x4d: {  	[sflag:s19] =	ssyncadd.s32 $0xFFFFCC00;
	s0 =	simm.s32 $0xD00;
	s15 =	sadd.s32 $0x0, s1  }
.LBB2_3:
0x4e: {  	[hbm4b:s15+s3] =	stream.linear.scatter [tilespmem:s0], [sflag:$0x5], $0x40, $0x38;
	[tilespmem:$0xDD00] =	vst v63  }
0x4f: {  	s15 =	smov.u32 s13;
	s0 =	smov.u32 s14;
	p0 =	sne.s32 s13, $0x190  }
.Ltmp2:
0x50: {  	s13 =	sadd.s32 $0x10, s13;
	(pc) =	sbr.rel @p0 .LBB2_3-.Ltmp2, $2  }
0x51: {  	_ =	sdelay $0x2  }
0x52: {  	s14 =	sadd.s32 $0x80, s14;
	s15 =	sadd.s32 s15, s1  }
0x53: {  	[hbm4b:s15+s3] =	stream.linear.scatter [tilespmem:s0], [sflag:$0x5], $0x40, $0x38;
	[tilespmem:$0xDD00] =	vst v63  }
0x54: {  	s1 =	sadd.s32 s30, s7;
	s0 =	simm.s32 $0x1A00  }
0x55: {  	s13 =	simm.s32 $0x10;
	s14 =	simm.s32 $0x1A80;
	s15 =	sadd.s32 $0x0, s1  }
.LBB2_5:
0x56: {  	[hbm4b:s15+s3] =	stream.linear.scatter [tilespmem:s0], [sflag:$0x5], $0x40, $0x38;
	[tilespmem:$0xDD00] =	vst v63  }
0x57: {  	s15 =	smov.u32 s13;
	s0 =	smov.u32 s14;
	p0 =	sne.s32 s13, $0x190  }
.Ltmp3:
0x58: {  	s13 =	sadd.s32 $0x10, s13;
	(pc) =	sbr.rel @p0 .LBB2_5-.Ltmp3, $2  }
0x59: {  	_ =	sdelay $0x2  }
0x5a: {  	s14 =	sadd.s32 $0x80, s14;
	s15 =	sadd.s32 s15, s1  }
0x5b: {  	[hbm4b:s15+s3] =	stream.linear.scatter [tilespmem:s0], [sflag:$0x5], $0x40, $0x38;
	[tilespmem:$0xDD00] =	vst v63  }
0x5c: {  	s1 =	sadd.s32 s30, s8;
	s0 =	simm.s32 $0x2700  }
0x5d: {  	s13 =	simm.s32 $0x10;
	s14 =	simm.s32 $0x2780;
	s15 =	sadd.s32 $0x0, s1  }
.LBB2_7:
0x5e: {  	[hbm4b:s15+s3] =	stream.linear.scatter [tilespmem:s0], [sflag:$0x5], $0x40, $0x38;
	[tilespmem:$0xDD00] =	vst v63  }
0x5f: {  	s15 =	smov.u32 s13;
	s0 =	smov.u32 s14;
	p0 =	sne.s32 s13, $0x190  }
.Ltmp4:
0x60: {  	s13 =	sadd.s32 $0x10, s13;
	(pc) =	sbr.rel @p0 .LBB2_7-.Ltmp4, $2  }
0x61: {  	_ =	sdelay $0x2  }
0x62: {  	s14 =	sadd.s32 $0x80, s14;
	s15 =	sadd.s32 s15, s1  }
0x63: {  	[hbm4b:s15+s3] =	stream.linear.scatter [tilespmem:s0], [sflag:$0x5], $0x40, $0x38;
	[tilespmem:$0xDD00] =	vst v63  }
0x64: {  	s1 =	sadd.s32 s30, s9;
	s0 =	simm.s32 $0x3400  }
0x65: {  	s13 =	simm.s32 $0x10;
	s14 =	simm.s32 $0x3480;
	s15 =	sadd.s32 $0x0, s1  }
.LBB2_9:
0x66: {  	[hbm4b:s15+s3] =	stream.linear.scatter [tilespmem:s0], [sflag:$0x5], $0x40, $0x38;
	[tilespmem:$0xDD00] =	vst v63  }
0x67: {  	s15 =	smov.u32 s13;
	s0 =	smov.u32 s14;
	p0 =	sne.s32 s13, $0x190  }
.Ltmp5:
0x68: {  	s13 =	sadd.s32 $0x10, s13;
	(pc) =	sbr.rel @p0 .LBB2_9-.Ltmp5, $2  }
0x69: {  	_ =	sdelay $0x2  }
0x6a: {  	s14 =	sadd.s32 $0x80, s14;
	s15 =	sadd.s32 s15, s1  }
0x6b: {  	[hbm4b:s15+s3] =	stream.linear.scatter [tilespmem:s0], [sflag:$0x5], $0x40, $0x38;
	[tilespmem:$0xDD00] =	vst v63  }
0x6c: {  	p0 =	seq.s32 s29, $0x7  }
0x6d: {  	s0 =	simm.s32 @!p0 $0x5  }
0x6e: {  	_ =	swait.ge @!p0 [sflag:s0], $0x680  }
0x6f: {  	[sflag:s0] =	ssyncset.done @!p0 $0x0  }
0x70: {  	[sflag:s0] =	ssyncadd.s32 @!p0 $0xFFFFF980  }
0x71: {  	_ =	swait.ge @!p0 [sflag:s0], $0x680  }
0x72: {  	[sflag:s0] =	ssyncset.done @!p0 $0x0  }
0x73: {  	[sflag:s0] =	ssyncadd.s32 @!p0 $0xFFFFF980  }
0x74: {  	_ =	swait.ge @!p0 [sflag:s0], $0x680  }
0x75: {  	[sflag:s0] =	ssyncset.done @!p0 $0x0  }
0x76: {  	s1 =	smul.u32 @!p0 $0x680, s29;
	[sflag:s0] =	ssyncadd.s32 @!p0 $0xFFFFF980  }
0x77: {  	s16 =	sadd.s32 s31, s5;
	s13 =	simm.s32 @!p0 $0xD00;
	_ =	swait.ge @!p0 [sflag:s0], $0x680  }
0x78: {  	s31 =	sshll.u32 s16, $0x9;
	s30 =	sshra.s32 @!p0 s1, $0x2;
	[sflag:s0] =	ssyncset.done @!p0 $0x0  }
0x79: {  	s1 =	simm.s32 @!p0 $0x68;
	[sflag:s0] =	ssyncadd.s32 @!p0 $0xFFFFF980;
	s0 =	sadd.s32 @!p0 $0x1A0, s30  }
0x7a: {  	[tilespmem:s13], [sflag:$0x1] =	stream.indirect.gather @!p0 [hbm4b:s2+s1], $0x80, s0, s1, $0xb8;
	[tilespmem:$0xDD00] =	vst v63  }
0x7b: {  	s0 =	sadd.s32 $0x800, s31  }
0x7c: {  	s14 =	simm.s32 $0x10;
	_ =	swait.ge [sflag:s20], $0x3400;
	s1 =	sand.u32 $0x1FFFE800, s0  }
0x7d: {  	s15 =	simm.s32 $0x4180;
	[sflag:s20] =	ssyncset.done $0x0;
	s0 =	sadd.s32 s4, s1  }
0x7e: {  	s13 =	simm.s32 $0x4100;
	[sflag:s20] =	ssyncadd.s32 $0xFFFFCC00;
	s16 =	sadd.s32 $0x0, s0  }
.LBB2_11:
0x7f: {  	[hbm4b:s16+s3] =	stream.linear.scatter [tilespmem:s13], [sflag:$0x6], $0x40, $0x38;
	[tilespmem:$0xDD00] =	vst v63  }
0x80: {  	s16 =	smov.u32 s14;
	s13 =	smov.u32 s15;
	p1 =	sne.s32 s14, $0x190  }
.Ltmp6:
0x81: {  	s14 =	sadd.s32 $0x10, s14;
	(pc) =	sbr.rel @p1 .LBB2_11-.Ltmp6, $2  }
0x82: {  	_ =	sdelay $0x2  }
0x83: {  	s15 =	sadd.s32 $0x80, s15;
	s16 =	sadd.s32 s16, s0  }
0x84: {  	[hbm4b:s16+s3] =	stream.linear.scatter [tilespmem:s13], [sflag:$0x6], $0x40, $0x38;
	[tilespmem:$0xDD00] =	vst v63  }
0x85: {  	s0 =	sadd.s32 s1, s7;
	s13 =	simm.s32 $0x4E00  }
0x86: {  	s14 =	simm.s32 $0x10;
	s15 =	simm.s32 $0x4E80;
	s16 =	sadd.s32 $0x0, s0  }
.LBB2_13:
0x87: {  	[hbm4b:s16+s3] =	stream.linear.scatter [tilespmem:s13], [sflag:$0x6], $0x40, $0x38;
	[tilespmem:$0xDD00] =	vst v63  }
0x88: {  	s16 =	smov.u32 s14;
	s13 =	smov.u32 s15;
	p1 =	sne.s32 s14, $0x190  }
.Ltmp7:
0x89: {  	s14 =	sadd.s32 $0x10, s14;
	(pc) =	sbr.rel @p1 .LBB2_13-.Ltmp7, $2  }
0x8a: {  	_ =	sdelay $0x2  }
0x8b: {  	s15 =	sadd.s32 $0x80, s15;
	s16 =	sadd.s32 s16, s0  }
0x8c: {  	[hbm4b:s16+s3] =	stream.linear.scatter [tilespmem:s13], [sflag:$0x6], $0x40, $0x38;
	[tilespmem:$0xDD00] =	vst v63  }
0x8d: {  	s0 =	sadd.s32 s1, s8;
	s13 =	simm.s32 $0x5B00  }
0x8e: {  	s14 =	simm.s32 $0x10;
	s15 =	simm.s32 $0x5B80;
	s16 =	sadd.s32 $0x0, s0  }
.LBB2_15:
0x8f: {  	[hbm4b:s16+s3] =	stream.linear.scatter [tilespmem:s13], [sflag:$0x6], $0x40, $0x38;
	[tilespmem:$0xDD00] =	vst v63  }
0x90: {  	s16 =	smov.u32 s14;
	s13 =	smov.u32 s15;
	p1 =	sne.s32 s14, $0x190  }
.Ltmp8:
0x91: {  	s14 =	sadd.s32 $0x10, s14;
	(pc) =	sbr.rel @p1 .LBB2_15-.Ltmp8, $2  }
0x92: {  	_ =	sdelay $0x2  }
0x93: {  	s15 =	sadd.s32 $0x80, s15;
	s16 =	sadd.s32 s16, s0  }
0x94: {  	[hbm4b:s16+s3] =	stream.linear.scatter [tilespmem:s13], [sflag:$0x6], $0x40, $0x38;
	[tilespmem:$0xDD00] =	vst v63  }
0x95: {  	s0 =	sadd.s32 s1, s9;
	s1 =	simm.s32 $0x6800  }
0x96: {  	s13 =	simm.s32 $0x10;
	s14 =	simm.s32 $0x6880;
	s15 =	sadd.s32 $0x0, s0  }
.LBB2_17:
0x97: {  	[hbm4b:s15+s3] =	stream.linear.scatter [tilespmem:s1], [sflag:$0x6], $0x40, $0x38;
	[tilespmem:$0xDD00] =	vst v63  }
0x98: {  	s15 =	smov.u32 s13;
	s1 =	smov.u32 s14;
	p1 =	sne.s32 s13, $0x190  }
.Ltmp9:
0x99: {  	s13 =	sadd.s32 $0x10, s13;
	(pc) =	sbr.rel @p1 .LBB2_17-.Ltmp9, $2  }
0x9a: {  	_ =	sdelay $0x2  }
0x9b: {  	s14 =	sadd.s32 $0x80, s14;
	s15 =	sadd.s32 s15, s0  }
0x9c: {  	[hbm4b:s15+s3] =	stream.linear.scatter [tilespmem:s1], [sflag:$0x6], $0x40, $0x38;
	[tilespmem:$0xDD00] =	vst v63  }
0x9d: {  	s0 =	simm.s32 @!p0 $0x6  }
0x9e: {  	_ =	swait.ge @!p0 [sflag:s0], $0x680  }
0x9f: {  	[sflag:s0] =	ssyncset.done @!p0 $0x0  }
0xa0: {  	[sflag:s0] =	ssyncadd.s32 @!p0 $0xFFFFF980  }
0xa1: {  	_ =	swait.ge @!p0 [sflag:s0], $0x680  }
0xa2: {  	[sflag:s0] =	ssyncset.done @!p0 $0x0  }
0xa3: {  	[sflag:s0] =	ssyncadd.s32 @!p0 $0xFFFFF980  }
0xa4: {  	_ =	swait.ge @!p0 [sflag:s0], $0x680  }
0xa5: {  	[sflag:s0] =	ssyncset.done @!p0 $0x0  }
0xa6: {  	[sflag:s0] =	ssyncadd.s32 @!p0 $0xFFFFF980  }
0xa7: {  	_ =	swait.ge @!p0 [sflag:s0], $0x680  }
0xa8: {  	s1 =	simm.s32 @!p0 $0x68;
	s13 =	simm.s32 @!p0 $0x4100;
	[sflag:s0] =	ssyncset.done @!p0 $0x0  }
0xa9: {  	s16 =	sadd.s32 $0x1000, s31;
	[sflag:s0] =	ssyncadd.s32 @!p0 $0xFFFFF980;
	s0 =	sadd.s32 @!p0 $0x208, s30  }
0xaa: {  	[tilespmem:s13], [sflag:$0x2] =	stream.indirect.gather @!p0 [hbm4b:s2+s1], $0x80, s0, s1, $0xb8;
	[tilespmem:$0xDD00] =	vst v63  }
0xab: {  	s14 =	simm.s32 $0x10;
	s1 =	sand.u32 $0x1FFFF000, s16;
	_ =	swait.ge [sflag:s21], $0x3400  }
0xac: {  	s15 =	simm.s32 $0x7580;
	s0 =	sadd.s32 s4, s1;
	[sflag:s21] =	ssyncset.done $0x0  }
0xad: {  	s13 =	simm.s32 $0x7500;
	s16 =	sadd.s32 $0x0, s0;
	[sflag:s21] =	ssyncadd.s32 $0xFFFFCC00  }
.LBB2_19:
0xae: {  	[hbm4b:s16+s3] =	stream.linear.scatter [tilespmem:s13], [sflag:$0x7], $0x40, $0x38;
	[tilespmem:$0xDD00] =	vst v63  }
0xaf: {  	s16 =	smov.u32 s14;
	s13 =	smov.u32 s15;
	p1 =	sne.s32 s14, $0x190  }
.Ltmp10:
0xb0: {  	s14 =	sadd.s32 $0x10, s14;
	(pc) =	sbr.rel @p1 .LBB2_19-.Ltmp10, $2  }
0xb1: {  	_ =	sdelay $0x2  }
0xb2: {  	s15 =	sadd.s32 $0x80, s15;
	s16 =	sadd.s32 s16, s0  }
0xb3: {  	[hbm4b:s16+s3] =	stream.linear.scatter [tilespmem:s13], [sflag:$0x7], $0x40, $0x38;
	[tilespmem:$0xDD00] =	vst v63  }
0xb4: {  	s0 =	sadd.s32 s1, s7;
	s13 =	simm.s32 $0x8200  }
0xb5: {  	s14 =	simm.s32 $0x10;
	s15 =	simm.s32 $0x8280;
	s16 =	sadd.s32 $0x0, s0  }
.LBB2_21:
0xb6: {  	[hbm4b:s16+s3] =	stream.linear.scatter [tilespmem:s13], [sflag:$0x7], $0x40, $0x38;
	[tilespmem:$0xDD00] =	vst v63  }
0xb7: {  	s16 =	smov.u32 s14;
	s13 =	smov.u32 s15;
	p1 =	sne.s32 s14, $0x190  }
.Ltmp11:
0xb8: {  	s14 =	sadd.s32 $0x10, s14;
	(pc) =	sbr.rel @p1 .LBB2_21-.Ltmp11, $2  }
0xb9: {  	_ =	sdelay $0x2  }
0xba: {  	s15 =	sadd.s32 $0x80, s15;
	s16 =	sadd.s32 s16, s0  }
0xbb: {  	[hbm4b:s16+s3] =	stream.linear.scatter [tilespmem:s13], [sflag:$0x7], $0x40, $0x38;
	[tilespmem:$0xDD00] =	vst v63  }
0xbc: {  	s0 =	sadd.s32 s1, s8;
	s13 =	simm.s32 $0x8F00  }
0xbd: {  	s14 =	simm.s32 $0x10;
	s15 =	simm.s32 $0x8F80;
	s16 =	sadd.s32 $0x0, s0  }
.LBB2_23:
0xbe: {  	[hbm4b:s16+s3] =	stream.linear.scatter [tilespmem:s13], [sflag:$0x7], $0x40, $0x38;
	[tilespmem:$0xDD00] =	vst v63  }
0xbf: {  	s16 =	smov.u32 s14;
	s13 =	smov.u32 s15;
	p1 =	sne.s32 s14, $0x190  }
.Ltmp12:
0xc0: {  	s14 =	sadd.s32 $0x10, s14;
	(pc) =	sbr.rel @p1 .LBB2_23-.Ltmp12, $2  }
0xc1: {  	_ =	sdelay $0x2  }
0xc2: {  	s15 =	sadd.s32 $0x80, s15;
	s16 =	sadd.s32 s16, s0  }
0xc3: {  	[hbm4b:s16+s3] =	stream.linear.scatter [tilespmem:s13], [sflag:$0x7], $0x40, $0x38;
	[tilespmem:$0xDD00] =	vst v63  }
0xc4: {  	s0 =	sadd.s32 s1, s9;
	s1 =	simm.s32 $0x9C00  }
0xc5: {  	s13 =	simm.s32 $0x10;
	s14 =	simm.s32 $0x9C80;
	s15 =	sadd.s32 $0x0, s0  }
.LBB2_25:
0xc6: {  	[hbm4b:s15+s3] =	stream.linear.scatter [tilespmem:s1], [sflag:$0x7], $0x40, $0x38;
	[tilespmem:$0xDD00] =	vst v63  }
0xc7: {  	s15 =	smov.u32 s13;
	s1 =	smov.u32 s14;
	p1 =	sne.s32 s13, $0x190  }
.Ltmp13:
0xc8: {  	s13 =	sadd.s32 $0x10, s13;
	(pc) =	sbr.rel @p1 .LBB2_25-.Ltmp13, $2  }
0xc9: {  	_ =	sdelay $0x2  }
0xca: {  	s14 =	sadd.s32 $0x80, s14;
	s15 =	sadd.s32 s15, s0  }
0xcb: {  	[hbm4b:s15+s3] =	stream.linear.scatter [tilespmem:s1], [sflag:$0x7], $0x40, $0x38;
	[tilespmem:$0xDD00] =	vst v63  }
0xcc: {  	s0 =	simm.s32 @!p0 $0x7  }
0xcd: {  	_ =	swait.ge @!p0 [sflag:s0], $0x680  }
0xce: {  	[sflag:s0] =	ssyncset.done @!p0 $0x0  }
0xcf: {  	[sflag:s0] =	ssyncadd.s32 @!p0 $0xFFFFF980  }
0xd0: {  	_ =	swait.ge @!p0 [sflag:s0], $0x680  }
0xd1: {  	[sflag:s0] =	ssyncset.done @!p0 $0x0  }
0xd2: {  	[sflag:s0] =	ssyncadd.s32 @!p0 $0xFFFFF980  }
0xd3: {  	_ =	swait.ge @!p0 [sflag:s0], $0x680  }
0xd4: {  	[sflag:s0] =	ssyncset.done @!p0 $0x0  }
0xd5: {  	[sflag:s0] =	ssyncadd.s32 @!p0 $0xFFFFF980  }
0xd6: {  	_ =	swait.ge @!p0 [sflag:s0], $0x680  }
0xd7: {  	s1 =	simm.s32 @!p0 $0x68;
	s13 =	simm.s32 @!p0 $0x7500;
	[sflag:s0] =	ssyncset.done @!p0 $0x0  }
0xd8: {  	s31 =	sadd.s32 $0x1800, s31;
	[sflag:s0] =	ssyncadd.s32 @!p0 $0xFFFFF980;
	s0 =	sadd.s32 @!p0 $0x270, s30  }
0xd9: {  	[tilespmem:s13], [sflag:$0x3] =	stream.indirect.gather @!p0 [hbm4b:s2+s1], $0x80, s0, s1, $0xb8;
	[tilespmem:$0xDD00] =	vst v63  }
0xda: {  	s14 =	simm.s32 $0x10;
	s1 =	sand.u32 $0x1FFFF800, s31;
	_ =	swait.ge [sflag:s22], $0x3400  }
0xdb: {  	s15 =	simm.s32 $0xA980;
	s0 =	sadd.s32 s4, s1;
	[sflag:s22] =	ssyncset.done $0x0  }
0xdc: {  	s13 =	simm.s32 $0xA900;
	s16 =	sadd.s32 $0x0, s0;
	[sflag:s22] =	ssyncadd.s32 $0xFFFFCC00  }
.LBB2_27:
0xdd: {  	[hbm4b:s16+s3] =	stream.linear.scatter [tilespmem:s13], [sflag:$0x8], $0x40, $0x38;
	[tilespmem:$0xDD00] =	vst v63  }
0xde: {  	s16 =	smov.u32 s14;
	s13 =	smov.u32 s15;
	p1 =	sne.s32 s14, $0x190  }
.Ltmp14:
0xdf: {  	s14 =	sadd.s32 $0x10, s14;
	(pc) =	sbr.rel @p1 .LBB2_27-.Ltmp14, $2  }
0xe0: {  	_ =	sdelay $0x2  }
0xe1: {  	s15 =	sadd.s32 $0x80, s15;
	s16 =	sadd.s32 s16, s0  }
0xe2: {  	[hbm4b:s16+s3] =	stream.linear.scatter [tilespmem:s13], [sflag:$0x8], $0x40, $0x38;
	[tilespmem:$0xDD00] =	vst v63  }
0xe3: {  	s0 =	sadd.s32 s1, s7;
	s13 =	simm.s32 $0xB600  }
0xe4: {  	s14 =	simm.s32 $0x10;
	s15 =	simm.s32 $0xB680;
	s16 =	sadd.s32 $0x0, s0  }
.LBB2_29:
0xe5: {  	[hbm4b:s16+s3] =	stream.linear.scatter [tilespmem:s13], [sflag:$0x8], $0x40, $0x38;
	[tilespmem:$0xDD00] =	vst v63  }
0xe6: {  	s16 =	smov.u32 s14;
	s13 =	smov.u32 s15;
	p1 =	sne.s32 s14, $0x190  }
.Ltmp15:
0xe7: {  	s14 =	sadd.s32 $0x10, s14;
	(pc) =	sbr.rel @p1 .LBB2_29-.Ltmp15, $2  }
0xe8: {  	_ =	sdelay $0x2  }
0xe9: {  	s15 =	sadd.s32 $0x80, s15;
	s16 =	sadd.s32 s16, s0  }
0xea: {  	[hbm4b:s16+s3] =	stream.linear.scatter [tilespmem:s13], [sflag:$0x8], $0x40, $0x38;
	[tilespmem:$0xDD00] =	vst v63  }
0xeb: {  	s0 =	sadd.s32 s1, s8;
	s13 =	simm.s32 $0xC300  }
0xec: {  	s14 =	simm.s32 $0x10;
	s15 =	simm.s32 $0xC380;
	s16 =	sadd.s32 $0x0, s0  }
.LBB2_31:
0xed: {  	[hbm4b:s16+s3] =	stream.linear.scatter [tilespmem:s13], [sflag:$0x8], $0x40, $0x38;
	[tilespmem:$0xDD00] =	vst v63  }
0xee: {  	s16 =	smov.u32 s14;
	s13 =	smov.u32 s15;
	p1 =	sne.s32 s14, $0x190  }
.Ltmp16:
0xef: {  	s14 =	sadd.s32 $0x10, s14;
	(pc) =	sbr.rel @p1 .LBB2_31-.Ltmp16, $2  }
0xf0: {  	_ =	sdelay $0x2  }
0xf1: {  	s15 =	sadd.s32 $0x80, s15;
	s16 =	sadd.s32 s16, s0  }
0xf2: {  	[hbm4b:s16+s3] =	stream.linear.scatter [tilespmem:s13], [sflag:$0x8], $0x40, $0x38;
	[tilespmem:$0xDD00] =	vst v63  }
0xf3: {  	s0 =	sadd.s32 s1, s9;
	s1 =	simm.s32 $0xD000  }
0xf4: {  	s13 =	simm.s32 $0x10;
	s14 =	simm.s32 $0xD080;
	s15 =	sadd.s32 $0x0, s0  }
.LBB2_33:
0xf5: {  	[hbm4b:s15+s3] =	stream.linear.scatter [tilespmem:s1], [sflag:$0x8], $0x40, $0x38;
	[tilespmem:$0xDD00] =	vst v63  }
0xf6: {  	s15 =	smov.u32 s13;
	s1 =	smov.u32 s14;
	p1 =	sne.s32 s13, $0x190  }
.Ltmp17:
0xf7: {  	s13 =	sadd.s32 $0x10, s13;
	(pc) =	sbr.rel @p1 .LBB2_33-.Ltmp17, $2  }
0xf8: {  	_ =	sdelay $0x2  }
0xf9: {  	s14 =	sadd.s32 $0x80, s14;
	s15 =	sadd.s32 s15, s0  }
.Ltmp18:
0xfa: {  	(pc) =	sbr.rel @p0 .LBB2_36-.Ltmp18, $2  }
0xfb: {  	_ =	sdelay $0x2  }
0xfc: {  	[hbm4b:s15+s3] =	stream.linear.scatter [tilespmem:s1], [sflag:$0x8], $0x40, $0x38;
	[tilespmem:$0xDD00] =	vst v63  }
0xfd: {  	_ =	swait.ge [sflag:s26], $0x680  }
0xfe: {  	[sflag:s26] =	ssyncset.done $0x0  }
0xff: {  	[sflag:s26] =	ssyncadd.s32 $0xFFFFF980  }
0x100: {  	_ =	swait.ge [sflag:s26], $0x680  }
0x101: {  	[sflag:s26] =	ssyncset.done $0x0  }
0x102: {  	[sflag:s26] =	ssyncadd.s32 $0xFFFFF980  }
0x103: {  	_ =	swait.ge [sflag:s26], $0x680  }
0x104: {  	s0 =	smul.u32 $0x680, s29;
	[sflag:s26] =	ssyncset.done $0x0  }
.Ltmp19:
0x105: {  	[sflag:s26] =	ssyncadd.s32 $0xFFFFF980;
	(pc) =	sbr.rel .LBB2_2-.Ltmp19, $4  }
0x106: {  	_ =	swait.ge [sflag:s26], $0x680  }
0x107: {  	s0 =	sshra.s32 s0, $0x2;
	[sflag:s26] =	ssyncset.done $0x0  }
0x108: {  	s29 =	sadd.s32 $0x1, s29;
	s0 =	sadd.s32 $0x2D8, s0;
	[sflag:s26] =	ssyncadd.s32 $0xFFFFF980  }
0x109: {  	[tilespmem:s18], [sflag:$0x4] =	stream.indirect.gather [hbm4b:s2+s12], $0x80, s0, s12, $0xb8;
	[tilespmem:$0xDD00] =	vst v63  }
.LBB2_37:
0x10a: {  	_ =	sfence.sel $0x180000  }
0x10b: {  	[bflag:$0x0] =	sbarrier.arrive $0xFFFF  }
0x10c: {  	_ =	strace $0x90000047  }
0x10d: {  	s0 =	stileid.u32;
	[bflag:$0x2] =	sbarrier.arrive $0xFFFF  }
0x10e: {  	p0 =	sne.s32 s0, $0x0;
	s0 =	rddreg [dreg:$0x3]  }
0x10f: {  	s0 =	sadd.s32 @!p0 $0x100000, s0  }
0x110: {  	[sflag:s0] =	ssyncadd.tile.s32 @!p0 $0x1;
	_ =	shalt  }
.Lfunc_end2:
_tile_overlayer_lowered:
.L_overlay_start_2:
0x111: {  	(tag) =	ssettag $0x2  }
0x112: {  	s0 =	rddreg [dreg:$0x0];
	s2 =	stileid.u32  }
0x113: {  	s1 =	rddreg [dreg:$0x1];
	p0 =	sne.s32 s2, $0x0  }
0x114: {  	s3 =	rddreg [dreg:$0x2];
	[bflag:$0x3] =	sbarrier.arrive $0xFFFF;
	s2 =	simm.s32 @!p0 $0x1C09  }
0x115: {  	[timem:s3], [sflag:s2] =	dma.local @!p0 [hbm:s0], s1  }
0x116: {  	s0 =	simm.s32 @!p0 $0x9  }
0x117: {  	_ =	swait.ge @!p0 [sflag:s0], s1  }
0x118: {  	s1 =	ssub.s32 @!p0 $0x0, s1;
	[sflag:s0] =	ssyncset.done @!p0 $0x0  }
0x119: {  	[sflag:s0] =	ssyncadd.s32 @!p0 s1  }
0x11a: {  	[bflag:$0x3] =	sbarrier.arrive $0xFFFF  }
0x11b: {  	_ =	shalt  }

</sc_bundles>
